<compile_context>
chip_gen: v7x
topology: tpu7x:2x2x1
jax: 0.10.2.dev20260603
libtpu: 0.0.44.dev20260713+nightly
codegen_flags: <defaults>
</compile_context>

<pallas_src>
import functools
import jax
import jax.numpy as jnp
import numpy as np
from jax import lax
from jax.experimental import pallas as pl
from jax.experimental.pallas import tpu as pltpu
from jax.experimental.pallas import tpu_sc as plsc

_B = 32
_NF = 2048
_NR = 2048
_POOL = 6144
_CTX = 1024

_NV = _POOL // 16
_QB = 1024
_KEYS = _QB * 16
_KV = _KEYS // 16


def _sc_topk_kernel(pert_hbm, pool_hbm, out_hbm, row_v, pool_v, out_v, hist):
    wid = lax.axis_index("s") * 2 + lax.axis_index("c")
    pltpu.sync_copy(pert_hbm.at[wid], row_v)
    pltpu.sync_copy(pool_hbm.at[wid, pl.ds(_NF, _POOL)], pool_v)
    iota = lax.iota(jnp.int32, 16)

    def body_a(i, c):
        mn_c, mx_c = c
        for u in range(4):
            v = row_v[pl.ds((i * 4 + u) * 16, 16)]
            mn_c = jnp.minimum(mn_c, v)
            mx_c = jnp.maximum(mx_c, v)
        return mn_c, mx_c

    v0 = row_v[pl.ds(0, 16)]
    mnv, mxv = lax.fori_loop(0, _NV // 4, body_a, (v0, v0))
    mn = jnp.min(mnv)
    mx = jnp.max(mxv)
    scale_v = jnp.full((16,), _QB - 2.0) / jnp.full((16,), mx - mn + 1e-20)
    scale = jnp.max(scale_v)

    def body_z(i, _):
        for u in range(8):
            hist[pl.ds((i * 8 + u) * 16, 16)] = jnp.zeros((16,), jnp.int32)
        return 0

    lax.fori_loop(0, _KV // 8, body_z, 0)

    def keys_at(i):
        v = row_v[pl.ds(i * 16, 16)]
        q = ((v - mn) * scale).astype(jnp.int32)
        return v, q * 16 + iota

    def body_b(i, _):
        for u in range(4):
            _, key = keys_at(i * 4 + u)
            plsc.addupdate_scatter(hist, [key], jnp.ones((16,), jnp.int32))
        return 0

    lax.fori_loop(0, _NV // 4, body_b, 0)

    def body_s(j, carry):
        for u in range(4):
            i = _KV - 1 - (j * 4 + u)
            h = hist[pl.ds(i * 16, 16)]
            c = plsc.cumsum(h)
            tot = jnp.sum(h)
            hist[pl.ds(i * 16, 16)] = carry + tot - c
            carry = carry + tot
        return carry

    lax.fori_loop(0, _KV // 4, body_s, jnp.int32(0))

    def body_c(i, s_acc):
        for u in range(4):
            idx = i * 4 + u
            v, key = keys_at(idx)
            p = pool_v[pl.ds(idx * 16, 16)]
            rank = plsc.load_gather(hist, [key])
            plsc.addupdate_scatter(hist, [key], jnp.ones((16,), jnp.int32))
            e = jnp.exp(v - mx)
            sel = rank < _NR
            plsc.store_scatter(out_v, [jnp.minimum(rank, _NR - 1)], e * p,
                               mask=sel)
            s_acc = s_acc + jnp.where(sel, e, 0.0)
        return s_acc

    s_acc = lax.fori_loop(0, _NV // 4, body_c, jnp.zeros((16,), jnp.float32))
    inv_v = jnp.full((16,), 1.0) / jnp.full((16,), jnp.sum(s_acc))
    inv = jnp.max(inv_v)

    def body_n(i, _):
        for u in range(4):
            idx = i * 4 + u
            out_v[pl.ds(idx * 16, 16)] = out_v[pl.ds(idx * 16, 16)] * inv
        return 0

    lax.fori_loop(0, _NR // 64, body_n, 0)
    pltpu.sync_copy(out_v, out_hbm.at[wid])


def _sc_topk(perturbed, pool):
    return pl.kernel(
        _sc_topk_kernel,
        out_type=jax.ShapeDtypeStruct((_B, _NR), jnp.float32),
        mesh=plsc.VectorSubcoreMesh(core_axis_name="c", subcore_axis_name="s"),
        scratch_types=[
            pltpu.VMEM((_POOL,), jnp.float32),
            pltpu.VMEM((_POOL,), jnp.float32),
            pltpu.VMEM((_NR,), jnp.float32),
            pltpu.VMEM((_KEYS,), jnp.int32),
        ],
        compiler_params=pltpu.CompilerParams(needs_layout_passes=False),
    )(perturbed, pool)


def _scorer1_kernel(h_ref, c_ref, w_ref, b_ref, o_ref, acc_ref, *, nk):
    k = pl.program_id(1)

    @pl.when(k == 0)
    def _():
        acc_ref[...] = jnp.zeros_like(acc_ref)

    @pl.when(k < nk - 2)
    def _():
        acc_ref[...] += jnp.dot(h_ref[...].astype(jnp.bfloat16),
                                w_ref[...].astype(jnp.bfloat16),
                                preferred_element_type=jnp.float32)

    @pl.when(k >= nk - 2)
    def _():
        acc_ref[...] += jnp.dot(c_ref[...].astype(jnp.bfloat16),
                                w_ref[...].astype(jnp.bfloat16),
                                preferred_element_type=jnp.float32)

    @pl.when(k == nk - 1)
    def _():
        o_ref[...] = jnp.maximum(acc_ref[...] + b_ref[...], 0.0)


def _scorer1(h, ctx, w, b, nb=3072, kb=512):
    M = h.shape[0]
    N = w.shape[1]
    nN, nK = N // nb, (_POOL + _CTX) // kb
    npool = _POOL // kb
    return pl.pallas_call(
        functools.partial(_scorer1_kernel, nk=nK),
        grid=(nN, nK),
        in_specs=[
            pl.BlockSpec((M, kb),
                         lambda n, k: (0, jnp.where(k < npool,
                                                    k + _NF // kb,
                                                    _NF // kb))),
            pl.BlockSpec((M, kb),
                         lambda n, k: (0, jnp.where(k < npool, 0, k - npool))),
            pl.BlockSpec((kb, nb), lambda n, k: (k, n)),
            pl.BlockSpec((1, nb), lambda n, k: (0, n)),
        ],
        out_shape=jax.ShapeDtypeStruct((M, N), jnp.float32),
        out_specs=pl.BlockSpec((M, nb), lambda n, k: (0, n)),
        scratch_shapes=[pltpu.VMEM((M, nb), jnp.float32)],
        compiler_params=pltpu.CompilerParams(
            dimension_semantics=("parallel", "arbitrary")),
    )(h, ctx, w, b.reshape(1, N))


def _mm_kernel(x_ref, w_ref, b_ref, o_ref, acc_ref, *, nk, act):
    k = pl.program_id(1)

    @pl.when(k == 0)
    def _():
        acc_ref[...] = jnp.zeros_like(acc_ref)

    acc_ref[...] += jnp.dot(x_ref[...].astype(jnp.bfloat16),
                            w_ref[...].astype(jnp.bfloat16),
                            preferred_element_type=jnp.float32)

    @pl.when(k == nk - 1)
    def _():
        r = acc_ref[...] + b_ref[...]
        if act:
            r = jnp.maximum(r, 0.0)
        o_ref[...] = r


def _mm_extra_kernel(x_ref, w_ref, b_ref, e_ref, o_ref, acc_ref, *, nk):
    k = pl.program_id(1)

    @pl.when(k == 0)
    def _():
        acc_ref[...] = jnp.zeros_like(acc_ref)

    acc_ref[...] += jnp.dot(x_ref[...].astype(jnp.bfloat16),
                            w_ref[...].astype(jnp.bfloat16),
                            preferred_element_type=jnp.float32)

    @pl.when(k == nk - 1)
    def _():
        o_ref[...] = acc_ref[...] + b_ref[...] + e_ref[...]


def _heads_parta_kernel(x_ref, c_ref, wg_ref, wo_ref, og_ref, oo_ref,
                        accg_ref, acco_ref, *, nk):
    k = pl.program_id(1)

    @pl.when(k == 0)
    def _():
        accg_ref[...] = jnp.zeros_like(accg_ref)
        acco_ref[...] = jnp.zeros_like(acco_ref)

    @pl.when(k < nk - 1)
    def _():
        xb = x_ref[...].astype(jnp.bfloat16)
        accg_ref[...] += jnp.dot(xb, wg_ref[...].astype(jnp.bfloat16),
                                 preferred_element_type=jnp.float32)
        acco_ref[...] += jnp.dot(xb, wo_ref[...].astype(jnp.bfloat16),
                                 preferred_element_type=jnp.float32)

    @pl.when(k == nk - 1)
    def _():
        cb = c_ref[...].astype(jnp.bfloat16)
        accg_ref[...] += jnp.dot(cb, wg_ref[...].astype(jnp.bfloat16),
                                 preferred_element_type=jnp.float32)
        acco_ref[...] += jnp.dot(cb, wo_ref[...].astype(jnp.bfloat16),
                                 preferred_element_type=jnp.float32)
        og_ref[...] = accg_ref[...]
        oo_ref[...] = acco_ref[...]


def _heads_parta(h, ctx, wg, wo, nb=1024, kb=1024):
    M = h.shape[0]
    N = wg.shape[1]
    nN, nKa = N // nb, 3072 // kb
    nf = 2048 // kb
    o_spec = pl.BlockSpec((M, nb), lambda n, k: (0, n))
    w_map = lambda n, k: (jnp.where(k < nf, k, k + nf), n)
    return pl.pallas_call(
        functools.partial(_heads_parta_kernel, nk=nKa),
        grid=(nN, nKa),
        in_specs=[
            pl.BlockSpec((M, kb), lambda n, k: (0, jnp.where(k < nf, k, 0))),
            pl.BlockSpec((M, kb), lambda n, k: (0, 0)),
            pl.BlockSpec((kb, nb), w_map),
            pl.BlockSpec((kb, nb), w_map),
        ],
        out_shape=[jax.ShapeDtypeStruct((M, N), jnp.float32)] * 2,
        out_specs=[o_spec, o_spec],
        scratch_shapes=[pltpu.VMEM((M, nb), jnp.float32)] * 2,
        compiler_params=pltpu.CompilerParams(
            dimension_semantics=("parallel", "arbitrary")),
    )(h, ctx, wg, wo)


def _heads_partb_kernel(x_ref, wg_ref, wo_ref, bg_ref, bo_ref, pg_ref,
                        po_ref, og_ref, oo_ref, accg_ref, acco_ref, *, nk):
    k = pl.program_id(1)

    @pl.when(k == 0)
    def _():
        accg_ref[...] = pg_ref[...]
        acco_ref[...] = po_ref[...]

    xb = x_ref[...].astype(jnp.bfloat16)
    accg_ref[...] += jnp.dot(xb, wg_ref[...].astype(jnp.bfloat16),
                             preferred_element_type=jnp.float32)
    acco_ref[...] += jnp.dot(xb, wo_ref[...].astype(jnp.bfloat16),
                             preferred_element_type=jnp.float32)

    @pl.when(k == nk - 1)
    def _():
        og_ref[...] = jnp.maximum(accg_ref[...] + bg_ref[...], 0.0)
        oo_ref[...] = jnp.maximum(acco_ref[...] + bo_ref[...], 0.0)


def _heads_partb(rs, wg, wo, bg, bo, pg, po, nb=1024, kb=1024):
    M = rs.shape[0]
    N = wg.shape[1]
    nN, nKb = N // nb, 2048 // kb
    mn_spec = pl.BlockSpec((M, nb), lambda n, k: (0, n))
    b_spec = pl.BlockSpec((1, nb), lambda n, k: (0, n))
    w_spec = pl.BlockSpec((kb, nb), lambda n, k: (k + 2048 // kb, n))
    return pl.pallas_call(
        functools.partial(_heads_partb_kernel, nk=nKb),
        grid=(nN, nKb),
        in_specs=[
            pl.BlockSpec((M, kb), lambda n, k: (0, k)),
            w_spec, w_spec, b_spec, b_spec, mn_spec, mn_spec,
        ],
        out_shape=[jax.ShapeDtypeStruct((M, N), jnp.float32)] * 2,
        out_specs=[mn_spec, mn_spec],
        scratch_shapes=[pltpu.VMEM((M, nb), jnp.float32)] * 2,
        compiler_params=pltpu.CompilerParams(
            dimension_semantics=("parallel", "arbitrary")),
    )(rs, wg, wo, bg.reshape(1, N), bo.reshape(1, N), pg, po)


def _l2_kernel(g1_ref, wg2_ref, o1_ref, wo2_ref, bo2_ref, bg2_ref,
               gate_ref, out_ref, accg_ref, acco_ref, *, nk):
    k = pl.program_id(1)

    @pl.when(k == 0)
    def _():
        accg_ref[...] = jnp.zeros_like(accg_ref)
        acco_ref[...] = jnp.zeros_like(acco_ref)

    accg_ref[...] += g1_ref[...] * wg2_ref[...]
    acco_ref[...] += jnp.dot(o1_ref[...].astype(jnp.bfloat16),
                             wo2_ref[...].astype(jnp.bfloat16),
                             preferred_element_type=jnp.float32)

    @pl.when(k == nk - 1)
    def _():
        g = jnp.sum(accg_ref[...], axis=1, keepdims=True) + bg2_ref[0, 0]
        gate_ref[...] = jnp.broadcast_to(g, gate_ref.shape)
        out_ref[...] = acco_ref[...] + bo2_ref[...]


def _l2(g1, wg2, bg2, o1, wo2, bo2, nb=1024, kb=1024):
    M, K = g1.shape
    N = wo2.shape[1]
    nK = K // kb
    bg2w = jnp.broadcast_to(bg2.reshape(1, 1), (1, 128))
    return pl.pallas_call(
        functools.partial(_l2_kernel, nk=nK),
        grid=(1, nK),
        in_specs=[
            pl.BlockSpec((M, kb), lambda n, k: (0, k)),
            pl.BlockSpec((1, kb), lambda n, k: (0, k)),
            pl.BlockSpec((M, kb), lambda n, k: (0, k)),
            pl.BlockSpec((kb, N), lambda n, k: (k, 0)),
            pl.BlockSpec((1, N), lambda n, k: (0, 0)),
            pl.BlockSpec((1, 128), lambda n, k: (0, 0)),
        ],
        out_shape=[jax.ShapeDtypeStruct((M, 128), jnp.float32),
                   jax.ShapeDtypeStruct((M, N), jnp.float32)],
        out_specs=[pl.BlockSpec((M, 128), lambda n, k: (0, 0)),
                   pl.BlockSpec((M, N), lambda n, k: (0, 0))],
        scratch_shapes=[pltpu.VMEM((M, kb), jnp.float32),
                        pltpu.VMEM((M, N), jnp.float32)],
        compiler_params=pltpu.CompilerParams(
            dimension_semantics=("parallel", "arbitrary")),
    )(g1, wg2.reshape(1, K), o1, wo2, bo2.reshape(1, N), bg2w)


def _mm(x, w, b, act=False, extra=None, nb=2048, kb=512):
    M, K = x.shape
    N = w.shape[1]
    assert N % nb == 0 and K % kb == 0, (N, nb, K, kb)
    nN, nK = N // nb, K // kb
    b2 = b.reshape(1, N)
    common = dict(
        grid=(nN, nK),
        out_shape=jax.ShapeDtypeStruct((M, N), jnp.float32),
        out_specs=pl.BlockSpec((M, nb), lambda n, k: (0, n)),
        scratch_shapes=[pltpu.VMEM((M, nb), jnp.float32)],
        compiler_params=pltpu.CompilerParams(
            dimension_semantics=("parallel", "arbitrary")),
    )
    x_spec = pl.BlockSpec((M, kb), lambda n, k: (0, k))
    w_spec = pl.BlockSpec((kb, nb), lambda n, k: (k, n))
    b_spec = pl.BlockSpec((1, nb), lambda n, k: (0, n))
    if extra is None:
        return pl.pallas_call(
            functools.partial(_mm_kernel, nk=nK, act=act),
            in_specs=[x_spec, w_spec, b_spec],
            **common,
        )(x, w, b2)
    e_spec = pl.BlockSpec((M, nb), lambda n, k: (0, n))
    return pl.pallas_call(
        functools.partial(_mm_extra_kernel, nk=nK),
        in_specs=[x_spec, w_spec, b_spec, e_spec],
        **common,
    )(x, w, b2, extra)


def kernel(h_from_dynamic, attn_context, Ws1, bs1, Ws2, bs2,
           Wg1, bg1, Wg2, bg2, Wo1, bo1, Wo2, bo2):
    fixed = h_from_dynamic[:, :_NF]
    pool = h_from_dynamic[:, _NF:]

    hdn = _scorer1(h_from_dynamic, attn_context, Ws1, bs1)

    u = jnp.clip(jax.random.uniform(jax.random.key(42), (_B, _POOL),
                                    jnp.float32), 1e-9, 1.0)
    gumbel = -jnp.log(-jnp.log(u))
    perturbed = _mm(hdn, Ws2, bs2, extra=gumbel, nb=3072, kb=512)

    rs = _sc_topk(perturbed, h_from_dynamic)

    ga, oa = _heads_parta(h_from_dynamic, attn_context, Wg1, Wo1)
    g1, o1 = _heads_partb(rs, Wg1, Wo1, bg1, bo1, ga, oa)

    gate128, out = _l2(g1, Wg2, bg2, o1, Wo2, bo2)
    return gate128[:, :1], out

# --- scband reference (transcript-rebuilt; emitter-appended) ---
"""Pipeline reference for scband-static-head-65377992180034 (READ-ONLY COPY).

The authoritative reference and input builder live on the scoring server;
editing this copy changes nothing except your own understanding.
"""

import jax, jax.numpy as jnp
import numpy as np

B = 32
SAMPLER_IN = 8192
CTX = 1024
HID = 2048
OUT = 1024
NUM_FIXED = 2048   # int(8192*0.25)
NUM_RANDOM = 2048  # int(8192*0.25)
POOL = SAMPLER_IN - NUM_FIXED          # 6144
SC_HID = max(64, POOL // 2)            # 3072
CONCAT = NUM_FIXED + NUM_RANDOM + CTX  # 5120


def setup_inputs(seed: int = 0) -> dict:
    key = jax.random.key(seed)
    ks = jax.random.split(key, 16)
    s = 0.02
    return {
        "h_from_dynamic": jax.random.normal(ks[0], (B, SAMPLER_IN), jnp.float32),
        "attn_context": jax.random.normal(ks[1], (B, CTX), jnp.float32),
        "Ws1": jax.random.normal(ks[2], (POOL + CTX, SC_HID), jnp.float32) * s,
        "bs1": jnp.zeros((SC_HID,), jnp.float32),
        "Ws2": jax.random.normal(ks[3], (SC_HID, POOL), jnp.float32) * s,
        "bs2": jnp.zeros((POOL,), jnp.float32),
        "Wg1": jax.random.normal(ks[4], (CONCAT, HID), jnp.float32) * s,
        "bg1": jnp.zeros((HID,), jnp.float32),
        "Wg2": jax.random.normal(ks[5], (HID, 1), jnp.float32) * s,
        "bg2": jnp.zeros((1,), jnp.float32),
        "Wo1": jax.random.normal(ks[6], (CONCAT, HID), jnp.float32) * s,
        "bo1": jnp.zeros((HID,), jnp.float32),
        "Wo2": jax.random.normal(ks[7], (HID, OUT), jnp.float32) * s,
        "bo2": jnp.zeros((OUT,), jnp.float32),
    }


def reference(h_from_dynamic, attn_context, Ws1, bs1, Ws2, bs2,
              Wg1, bg1, Wg2, bg2, Wo1, bo1, Wo2, bo2):
    # fixed sampling: first NUM_FIXED dims
    fixed_sample = h_from_dynamic[:, :NUM_FIXED]
    random_pool = h_from_dynamic[:, NUM_FIXED:]
    # contextual sampler scorer
    scorer_in = jnp.concatenate([random_pool, attn_context], axis=1)
    hdn = jnp.maximum(scorer_in @ Ws1 + bs1, 0.0)
    sampling_logits = hdn @ Ws2 + bs2
    # soft top-k with deterministic gumbel noise (fixed key; rand clamped at 1e-9 like torch)
    u = jnp.clip(jax.random.uniform(jax.random.key(42), sampling_logits.shape, jnp.float32), 1e-9, 1.0)
    gumbel = -jnp.log(-jnp.log(u))
    perturbed = sampling_logits + gumbel
    weights = jax.nn.softmax(perturbed, axis=1)
    topk_vals, topk_idx = jax.lax.top_k(weights, NUM_RANDOM)
    topk_weights = topk_vals / (jnp.sum(topk_vals, axis=1, keepdims=True) + 1e-9)
    topk_samples = jnp.take_along_axis(random_pool, topk_idx, axis=1)
    random_sample = topk_samples * topk_weights
    # heads (dropout in eval = identity; gate_norm skipped since config is undefined in source)
    combined = jnp.concatenate([fixed_sample, random_sample, attn_context], axis=1)
    gate_signal = jnp.maximum(combined @ Wg1 + bg1, 0.0) @ Wg2 + bg2
    output_logits = jnp.maximum(combined @ Wo1 + bo1, 0.0) @ Wo2 + bo2
    return (gate_signal, output_logits)

if __name__ == "__main__":
    import jax
    _d = setup_inputs()
    print(jax.jit(kernel)(*tuple(_d.values())))

</pallas_src>

<mosaic_0001>
#map = affine_map<(d0, d1) -> (0, 0)>
module attributes {stable_mosaic.version = 14 : i64} {
  func.func @_sc_topk_kernel(%arg0: i32, %arg1: i32, %arg2: memref<32x6144xf32, #tpu.memory_space<hbm>>, %arg3: memref<32x8192xf32, #tpu.memory_space<hbm>>, %arg4: memref<32x2048xf32, #tpu.memory_space<hbm>>, %arg5: memref<6144xf32, #tpu.memory_space<vmem>>, %arg6: memref<6144xf32, #tpu.memory_space<vmem>>, %arg7: memref<2048xf32, #tpu.memory_space<vmem>>, %arg8: memref<16384xi32, #tpu.memory_space<vmem>>) attributes {dimension_semantics = [#tpu.dimension_semantics<core_parallel>, #tpu.dimension_semantics<subcore_parallel>], iteration_bounds = array<i64: 2, 16>, scalar_prefetch = 0 : i64, scratch_operands = 4 : i64, tpu.core_type = #tpu.core_type<sc_vector_subcore>, window_params = [{transform_indices = #map}, {transform_indices = #map}, {transform_indices = #map}]} {
    %mul3A = arith.constant 2 : i32
    %mul3A_0 = arith.muli %arg1, %mul3A : i32
    %add3A = arith.addi %mul3A_0, %arg0 : i32
    "tpu.region"() ({
      %run_scoped3A = tpu.sem_alloc : memref<!tpu.dma_semaphore, #tpu.memory_space<semaphore_mem>>
      %dma_start3A = arith.constant 0 : i32
      %dma_start3A_68 = tpu.memref_slice %arg2[%add3A, %dma_start3A] : memref<32x6144xf32, #tpu.memory_space<hbm>> -> memref<1x6144xf32, #tpu.memory_space<hbm>>
      %dma_start3A_69 = tpu.memref_squeeze %dma_start3A_68 : memref<1x6144xf32, #tpu.memory_space<hbm>> -> memref<6144xf32, #tpu.memory_space<hbm>>
      %dma_start3A_70 = arith.constant 0 : i32
      %dma_start3A_71 = tpu.memref_slice %arg2[%add3A, %dma_start3A_70] : memref<32x6144xf32, #tpu.memory_space<hbm>> -> memref<1x6144xf32, #tpu.memory_space<hbm>>
      %dma_start3A_72 = tpu.memref_squeeze %dma_start3A_71 : memref<1x6144xf32, #tpu.memory_space<hbm>> -> memref<6144xf32, #tpu.memory_space<hbm>>
      tpu.enqueue_dma source(%dma_start3A_72 : memref<6144xf32, #tpu.memory_space<hbm>>) target(%arg5 : memref<6144xf32, #tpu.memory_space<vmem>>) target_semaphore(%run_scoped3A : memref<!tpu.dma_semaphore, #tpu.memory_space<semaphore_mem>>)
      %dma_wait3A = arith.constant 0 : i32
      %dma_wait3A_73 = tpu.memref_slice %arg2[%add3A, %dma_wait3A] : memref<32x6144xf32, #tpu.memory_space<hbm>> -> memref<1x6144xf32, #tpu.memory_space<hbm>>
      %dma_wait3A_74 = tpu.memref_squeeze %dma_wait3A_73 : memref<1x6144xf32, #tpu.memory_space<hbm>> -> memref<6144xf32, #tpu.memory_space<hbm>>
      %dma_wait3A_75 = arith.constant 0 : i32
      %dma_wait3A_76 = tpu.memref_slice %arg2[%add3A, %dma_wait3A_75] : memref<32x6144xf32, #tpu.memory_space<hbm>> -> memref<1x6144xf32, #tpu.memory_space<hbm>>
      %dma_wait3A_77 = tpu.memref_squeeze %dma_wait3A_76 : memref<1x6144xf32, #tpu.memory_space<hbm>> -> memref<6144xf32, #tpu.memory_space<hbm>>
      tpu.wait_dma2 semaphore(%run_scoped3A : memref<!tpu.dma_semaphore, #tpu.memory_space<semaphore_mem>>) src(%dma_wait3A_77 : memref<6144xf32, #tpu.memory_space<hbm>>) dst(%arg5 : memref<6144xf32, #tpu.memory_space<vmem>>)
      tpu.yield
    }) : () -> ()
    "tpu.region"() ({
      %run_scoped3A = tpu.sem_alloc : memref<!tpu.dma_semaphore, #tpu.memory_space<semaphore_mem>>
      %dma_start3A = arith.constant 2048 : i32
      %dma_start3A_68 = tpu.memref_slice %arg3[%add3A, %dma_start3A] : memref<32x8192xf32, #tpu.memory_space<hbm>> -> memref<1x6144xf32, #tpu.memory_space<hbm>>
      %dma_start3A_69 = tpu.memref_squeeze %dma_start3A_68 : memref<1x6144xf32, #tpu.memory_space<hbm>> -> memref<6144xf32, #tpu.memory_space<hbm>>
      %dma_start3A_70 = arith.constant 2048 : i32
      %dma_start3A_71 = tpu.memref_slice %arg3[%add3A, %dma_start3A_70] : memref<32x8192xf32, #tpu.memory_space<hbm>> -> memref<1x6144xf32, #tpu.memory_space<hbm>>
      %dma_start3A_72 = tpu.memref_squeeze %dma_start3A_71 : memref<1x6144xf32, #tpu.memory_space<hbm>> -> memref<6144xf32, #tpu.memory_space<hbm>>
      tpu.enqueue_dma source(%dma_start3A_72 : memref<6144xf32, #tpu.memory_space<hbm>>) target(%arg6 : memref<6144xf32, #tpu.memory_space<vmem>>) target_semaphore(%run_scoped3A : memref<!tpu.dma_semaphore, #tpu.memory_space<semaphore_mem>>)
      %dma_wait3A = arith.constant 2048 : i32
      %dma_wait3A_73 = tpu.memref_slice %arg3[%add3A, %dma_wait3A] : memref<32x8192xf32, #tpu.memory_space<hbm>> -> memref<1x6144xf32, #tpu.memory_space<hbm>>
      %dma_wait3A_74 = tpu.memref_squeeze %dma_wait3A_73 : memref<1x6144xf32, #tpu.memory_space<hbm>> -> memref<6144xf32, #tpu.memory_space<hbm>>
      %dma_wait3A_75 = arith.constant 2048 : i32
      %dma_wait3A_76 = tpu.memref_slice %arg3[%add3A, %dma_wait3A_75] : memref<32x8192xf32, #tpu.memory_space<hbm>> -> memref<1x6144xf32, #tpu.memory_space<hbm>>
      %dma_wait3A_77 = tpu.memref_squeeze %dma_wait3A_76 : memref<1x6144xf32, #tpu.memory_space<hbm>> -> memref<6144xf32, #tpu.memory_space<hbm>>
      tpu.wait_dma2 semaphore(%run_scoped3A : memref<!tpu.dma_semaphore, #tpu.memory_space<semaphore_mem>>) src(%dma_wait3A_77 : memref<6144xf32, #tpu.memory_space<hbm>>) dst(%arg6 : memref<6144xf32, #tpu.memory_space<vmem>>)
      tpu.yield
    }) : () -> ()
    %iota3A = tpu.iota {dimensions = array<i32: 0>} : vector<16xi32>
    %get3A = arith.constant 0 : index
    %get3A_1 = tpu.vector_load %arg5[%get3A] {strides = array<i32>} : memref<6144xf32, #tpu.memory_space<vmem>>, vector<16xf32>,
    %scan3A = arith.constant 0 : i32
    %scan3A_2 = arith.constant 96 : i32
    %scan3A_3 = arith.addi %scan3A, %scan3A_2 : i32
    %scan3A_4 = arith.constant 1 : i32
    %scan3A_5:2 = scf.for %scan3A_68 = %scan3A to %scan3A_3 step %scan3A_4 iter_args(%scan3A_69 = %get3A_1, %scan3A_70 = %get3A_1) -> (vector<16xf32>, vector<16xf32>)  : i32 {
      %mul3A_71 = arith.constant 4 : i32
      %mul3A_72 = arith.muli %scan3A_68, %mul3A_71 : i32
      %add3A_73 = arith.constant 0 : i32
      %add3A_74 = arith.addi %mul3A_72, %add3A_73 : i32
      %mul3A_75 = arith.constant 16 : i32
      %mul3A_76 = arith.muli %add3A_74, %mul3A_75 : i32
      %get3A_77 = arith.index_cast %mul3A_76 : i32 to index
      %get3A_78 = tpu.vector_load %arg5[%get3A_77] {strides = array<i32>} : memref<6144xf32, #tpu.memory_space<vmem>>, vector<16xf32>,
      %min3A = arith.minimumf %scan3A_69, %get3A_78 : vector<16xf32>
      %max3A = arith.maximumf %scan3A_70, %get3A_78 : vector<16xf32>
      %mul3A_79 = arith.constant 4 : i32
      %mul3A_80 = arith.muli %scan3A_68, %mul3A_79 : i32
      %add3A_81 = arith.constant 1 : i32
      %add3A_82 = arith.addi %mul3A_80, %add3A_81 : i32
      %mul3A_83 = arith.constant 16 : i32
      %mul3A_84 = arith.muli %add3A_82, %mul3A_83 : i32
      %get3A_85 = arith.index_cast %mul3A_84 : i32 to index
      %get3A_86 = tpu.vector_load %arg5[%get3A_85] {strides = array<i32>} : memref<6144xf32, #tpu.memory_space<vmem>>, vector<16xf32>,
      %min3A_87 = arith.minimumf %min3A, %get3A_86 : vector<16xf32>
      %max3A_88 = arith.maximumf %max3A, %get3A_86 : vector<16xf32>
      %mul3A_89 = arith.constant 4 : i32
      %mul3A_90 = arith.muli %scan3A_68, %mul3A_89 : i32
      %add3A_91 = arith.constant 2 : i32
      %add3A_92 = arith.addi %mul3A_90, %add3A_91 : i32
      %mul3A_93 = arith.constant 16 : i32
      %mul3A_94 = arith.muli %add3A_92, %mul3A_93 : i32
      %get3A_95 = arith.index_cast %mul3A_94 : i32 to index
      %get3A_96 = tpu.vector_load %arg5[%get3A_95] {strides = array<i32>} : memref<6144xf32, #tpu.memory_space<vmem>>, vector<16xf32>,
      %min3A_97 = arith.minimumf %min3A_87, %get3A_96 : vector<16xf32>
      %max3A_98 = arith.maximumf %max3A_88, %get3A_96 : vector<16xf32>
      %mul3A_99 = arith.constant 4 : i32
      %mul3A_100 = arith.muli %scan3A_68, %mul3A_99 : i32
      %add3A_101 = arith.constant 3 : i32
      %add3A_102 = arith.addi %mul3A_100, %add3A_101 : i32
      %mul3A_103 = arith.constant 16 : i32
      %mul3A_104 = arith.muli %add3A_102, %mul3A_103 : i32
      %get3A_105 = arith.index_cast %mul3A_104 : i32 to index
      %get3A_106 = tpu.vector_load %arg5[%get3A_105] {strides = array<i32>} : memref<6144xf32, #tpu.memory_space<vmem>>, vector<16xf32>,
      %min3A_107 = arith.minimumf %min3A_97, %get3A_106 : vector<16xf32>
      %max3A_108 = arith.maximumf %max3A_98, %get3A_106 : vector<16xf32>
      scf.yield %min3A_107, %max3A_108 : vector<16xf32>, vector<16xf32>
    }
    %scan3A_6 = arith.constant 96 : i32
    %reduce_min3A = arith.constant true
    %reduce_min3A_7 = vector.broadcast %reduce_min3A : i1 to vector<16xi1>
    %reduce_min3A_8 = tpu.scan <min>, %scan3A_5#0 masked %reduce_min3A_7 : vector<16xf32>, vector<16xi1> -> vector<16xf32>
    %reduce_min3A_9 = vector.extract %reduce_min3A_8[15] : f32 from vector<16xf32>
    %reduce_max3A = arith.constant true
    %reduce_max3A_10 = vector.broadcast %reduce_max3A : i1 to vector<16xi1>
    %reduce_max3A_11 = tpu.scan <max>, %scan3A_5#1 masked %reduce_max3A_10 : vector<16xf32>, vector<16xi1> -> vector<16xf32>
    %reduce_max3A_12 = vector.extract %reduce_max3A_11[15] : f32 from vector<16xf32>
    %broadcast_in_dim3A = arith.constant 1.022000e+03 : f32
    %broadcast_in_dim3A_13 = vector.broadcast %broadcast_in_dim3A : f32 to vector<16xf32>
    %sub3A = arith.subf %reduce_max3A_12, %reduce_min3A_9 : f32
    %add3A_14 = arith.constant 9.99999968E-21 : f32
    %add3A_15 = arith.addf %sub3A, %add3A_14 : f32
    %broadcast_in_dim3A_16 = vector.broadcast %add3A_15 : f32 to vector<16xf32>
    %div3A = arith.divf %broadcast_in_dim3A_13, %broadcast_in_dim3A_16 : vector<16xf32>
    %reduce_max3A_17 = arith.constant true
    %reduce_max3A_18 = vector.broadcast %reduce_max3A_17 : i1 to vector<16xi1>
    %reduce_max3A_19 = tpu.scan <max>, %div3A masked %reduce_max3A_18 : vector<16xf32>, vector<16xi1> -> vector<16xf32>
    %reduce_max3A_20 = vector.extract %reduce_max3A_19[15] : f32 from vector<16xf32>
    %scan3A_21 = arith.constant 0 : i32
    %scan3A_22 = arith.constant 0 : i32
    %scan3A_23 = arith.constant 128 : i32
    %scan3A_24 = arith.addi %scan3A_22, %scan3A_23 : i32
    %scan3A_25 = arith.constant 1 : i32
    %scan3A_26 = scf.for %scan3A_68 = %scan3A_22 to %scan3A_24 step %scan3A_25 iter_args(%scan3A_69 = %scan3A_21) -> (i32)  : i32 {
      %broadcast_in_dim3A_70 = arith.constant 0 : i32
      %broadcast_in_dim3A_71 = vector.broadcast %broadcast_in_dim3A_70 : i32 to vector<16xi32>
      %mul3A_72 = arith.constant 8 : i32
      %mul3A_73 = arith.muli %scan3A_68, %mul3A_72 : i32
      %add3A_74 = arith.constant 0 : i32
      %add3A_75 = arith.addi %mul3A_73, %add3A_74 : i32
      %mul3A_76 = arith.constant 16 : i32
      %mul3A_77 = arith.muli %add3A_75, %mul3A_76 : i32
      %swap3A = arith.index_cast %mul3A_77 : i32 to index
      %swap3A_78 = tpu.vector_load %arg8[%swap3A] {strides = array<i32>} : memref<16384xi32, #tpu.memory_space<vmem>>, vector<16xi32>,
      tpu.vector_store %arg8[%swap3A], %broadcast_in_dim3A_71 {strides = array<i32>} : memref<16384xi32, #tpu.memory_space<vmem>>, vector<16xi32>,
      %broadcast_in_dim3A_79 = arith.constant 0 : i32
      %broadcast_in_dim3A_80 = vector.broadcast %broadcast_in_dim3A_79 : i32 to vector<16xi32>
      %mul3A_81 = arith.constant 8 : i32
      %mul3A_82 = arith.muli %scan3A_68, %mul3A_81 : i32
      %add3A_83 = arith.constant 1 : i32
      %add3A_84 = arith.addi %mul3A_82, %add3A_83 : i32
      %mul3A_85 = arith.constant 16 : i32
      %mul3A_86 = arith.muli %add3A_84, %mul3A_85 : i32
      %swap3A_87 = arith.index_cast %mul3A_86 : i32 to index
      %swap3A_88 = tpu.vector_load %arg8[%swap3A_87] {strides = array<i32>} : memref<16384xi32, #tpu.memory_space<vmem>>, vector<16xi32>,
      tpu.vector_store %arg8[%swap3A_87], %broadcast_in_dim3A_80 {strides = array<i32>} : memref<16384xi32, #tpu.memory_space<vmem>>, vector<16xi32>,
      %broadcast_in_dim3A_89 = arith.constant 0 : i32
      %broadcast_in_dim3A_90 = vector.broadcast %broadcast_in_dim3A_89 : i32 to vector<16xi32>
      %mul3A_91 = arith.constant 8 : i32
      %mul3A_92 = arith.muli %scan3A_68, %mul3A_91 : i32
      %add3A_93 = arith.constant 2 : i32
      %add3A_94 = arith.addi %mul3A_92, %add3A_93 : i32
      %mul3A_95 = arith.constant 16 : i32
      %mul3A_96 = arith.muli %add3A_94, %mul3A_95 : i32
      %swap3A_97 = arith.index_cast %mul3A_96 : i32 to index
      %swap3A_98 = tpu.vector_load %arg8[%swap3A_97] {strides = array<i32>} : memref<16384xi32, #tpu.memory_space<vmem>>, vector<16xi32>,
      tpu.vector_store %arg8[%swap3A_97], %broadcast_in_dim3A_90 {strides = array<i32>} : memref<16384xi32, #tpu.memory_space<vmem>>, vector<16xi32>,
      %broadcast_in_dim3A_99 = arith.constant 0 : i32
      %broadcast_in_dim3A_100 = vector.broadcast %broadcast_in_dim3A_99 : i32 to vector<16xi32>
      %mul3A_101 = arith.constant 8 : i32
      %mul3A_102 = arith.muli %scan3A_68, %mul3A_101 : i32
      %add3A_103 = arith.constant 3 : i32
      %add3A_104 = arith.addi %mul3A_102, %add3A_103 : i32
      %mul3A_105 = arith.constant 16 : i32
      %mul3A_106 = arith.muli %add3A_104, %mul3A_105 : i32
      %swap3A_107 = arith.index_cast %mul3A_106 : i32 to index
      %swap3A_108 = tpu.vector_load %arg8[%swap3A_107] {strides = array<i32>} : memref<16384xi32, #tpu.memory_space<vmem>>, vector<16xi32>,
      tpu.vector_store %arg8[%swap3A_107], %broadcast_in_dim3A_100 {strides = array<i32>} : memref<16384xi32, #tpu.memory_space<vmem>>, vector<16xi32>,
      %broadcast_in_dim3A_109 = arith.constant 0 : i32
      %broadcast_in_dim3A_110 = vector.broadcast %broadcast_in_dim3A_109 : i32 to vector<16xi32>
      %mul3A_111 = arith.constant 8 : i32
      %mul3A_112 = arith.muli %scan3A_68, %mul3A_111 : i32
      %add3A_113 = arith.constant 4 : i32
      %add3A_114 = arith.addi %mul3A_112, %add3A_113 : i32
      %mul3A_115 = arith.constant 16 : i32
      %mul3A_116 = arith.muli %add3A_114, %mul3A_115 : i32
      %swap3A_117 = arith.index_cast %mul3A_116 : i32 to index
      %swap3A_118 = tpu.vector_load %arg8[%swap3A_117] {strides = array<i32>} : memref<16384xi32, #tpu.memory_space<vmem>>, vector<16xi32>,
      tpu.vector_store %arg8[%swap3A_117], %broadcast_in_dim3A_110 {strides = array<i32>} : memref<16384xi32, #tpu.memory_space<vmem>>, vector<16xi32>,
      %broadcast_in_dim3A_119 = arith.constant 0 : i32
      %broadcast_in_dim3A_120 = vector.broadcast %broadcast_in_dim3A_119 : i32 to vector<16xi32>
      %mul3A_121 = arith.constant 8 : i32
      %mul3A_122 = arith.muli %scan3A_68, %mul3A_121 : i32
      %add3A_123 = arith.constant 5 : i32
      %add3A_124 = arith.addi %mul3A_122, %add3A_123 : i32
      %mul3A_125 = arith.constant 16 : i32
      %mul3A_126 = arith.muli %add3A_124, %mul3A_125 : i32
      %swap3A_127 = arith.index_cast %mul3A_126 : i32 to index
      %swap3A_128 = tpu.vector_load %arg8[%swap3A_127] {strides = array<i32>} : memref<16384xi32, #tpu.memory_space<vmem>>, vector<16xi32>,
      tpu.vector_store %arg8[%swap3A_127], %broadcast_in_dim3A_120 {strides = array<i32>} : memref<16384xi32, #tpu.memory_space<vmem>>, vector<16xi32>,
      %broadcast_in_dim3A_129 = arith.constant 0 : i32
      %broadcast_in_dim3A_130 = vector.broadcast %broadcast_in_dim3A_129 : i32 to vector<16xi32>
      %mul3A_131 = arith.constant 8 : i32
      %mul3A_132 = arith.muli %scan3A_68, %mul3A_131 : i32
      %add3A_133 = arith.constant 6 : i32
      %add3A_134 = arith.addi %mul3A_132, %add3A_133 : i32
      %mul3A_135 = arith.constant 16 : i32
      %mul3A_136 = arith.muli %add3A_134, %mul3A_135 : i32
      %swap3A_137 = arith.index_cast %mul3A_136 : i32 to index
      %swap3A_138 = tpu.vector_load %arg8[%swap3A_137] {strides = array<i32>} : memref<16384xi32, #tpu.memory_space<vmem>>, vector<16xi32>,
      tpu.vector_store %arg8[%swap3A_137], %broadcast_in_dim3A_130 {strides = array<i32>} : memref<16384xi32, #tpu.memory_space<vmem>>, vector<16xi32>,
      %broadcast_in_dim3A_139 = arith.constant 0 : i32
      %broadcast_in_dim3A_140 = vector.broadcast %broadcast_in_dim3A_139 : i32 to vector<16xi32>
      %mul3A_141 = arith.constant 8 : i32
      %mul3A_142 = arith.muli %scan3A_68, %mul3A_141 : i32
      %add3A_143 = arith.constant 7 : i32
      %add3A_144 = arith.addi %mul3A_142, %add3A_143 : i32
      %mul3A_145 = arith.constant 16 : i32
      %mul3A_146 = arith.muli %add3A_144, %mul3A_145 : i32
      %swap3A_147 = arith.index_cast %mul3A_146 : i32 to index
      %swap3A_148 = tpu.vector_load %arg8[%swap3A_147] {strides = array<i32>} : memref<16384xi32, #tpu.memory_space<vmem>>, vector<16xi32>,
      tpu.vector_store %arg8[%swap3A_147], %broadcast_in_dim3A_140 {strides = array<i32>} : memref<16384xi32, #tpu.memory_space<vmem>>, vector<16xi32>,
      %scan3A_149 = arith.constant 0 : i32
      scf.yield %scan3A_149 : i32
    }
    %scan3A_27 = arith.constant 128 : i32
    %scan3A_28 = arith.constant 0 : i32
    %scan3A_29 = arith.constant 0 : i32
    %scan3A_30 = arith.constant 96 : i32
    %scan3A_31 = arith.addi %scan3A_29, %scan3A_30 : i32
    %scan3A_32 = arith.constant 1 : i32
    %scan3A_33 = scf.for %scan3A_68 = %scan3A_29 to %scan3A_31 step %scan3A_32 iter_args(%scan3A_69 = %scan3A_28) -> (i32)  : i32 {
      %mul3A_70 = arith.constant 4 : i32
      %mul3A_71 = arith.muli %scan3A_68, %mul3A_70 : i32
      %add3A_72 = arith.constant 0 : i32
      %add3A_73 = arith.addi %mul3A_71, %add3A_72 : i32
      %mul3A_74 = arith.constant 16 : i32
      %mul3A_75 = arith.muli %add3A_73, %mul3A_74 : i32
      %get3A_76 = arith.index_cast %mul3A_75 : i32 to index
      %get3A_77 = tpu.vector_load %arg5[%get3A_76] {strides = array<i32>} : memref<6144xf32, #tpu.memory_space<vmem>>, vector<16xf32>,
      %sub3A_78 = vector.broadcast %reduce_min3A_9 : f32 to vector<16xf32>
      %sub3A_79 = arith.subf %get3A_77, %sub3A_78 : vector<16xf32>
      %mul3A_80 = vector.broadcast %reduce_max3A_20 : f32 to vector<16xf32>
      %mul3A_81 = arith.mulf %sub3A_79, %mul3A_80 : vector<16xf32>
      %convert_element_type3A = arith.fptosi %mul3A_81 : vector<16xf32> to vector<16xi32>
      %mul3A_82 = arith.constant 16 : i32
      %mul3A_83 = vector.broadcast %mul3A_82 : i32 to vector<16xi32>
      %mul3A_84 = arith.muli %convert_element_type3A, %mul3A_83 : vector<16xi32>
      %add3A_85 = arith.addi %mul3A_84, %iota3A : vector<16xi32>
      %broadcast_in_dim3A_86 = arith.constant 1 : i32
      %broadcast_in_dim3A_87 = vector.broadcast %broadcast_in_dim3A_86 : i32 to vector<16xi32>
      tpu.vector_store_idx %arg8[%add3A_85], %broadcast_in_dim3A_87 {add = true} : memref<16384xi32, #tpu.memory_space<vmem>>[vector<16xi32>], vector<16xi32>,
      %mul3A_88 = arith.constant 4 : i32
      %mul3A_89 = arith.muli %scan3A_68, %mul3A_88 : i32
      %add3A_90 = arith.constant 1 : i32
      %add3A_91 = arith.addi %mul3A_89, %add3A_90 : i32
      %mul3A_92 = arith.constant 16 : i32
      %mul3A_93 = arith.muli %add3A_91, %mul3A_92 : i32
      %get3A_94 = arith.index_cast %mul3A_93 : i32 to index
      %get3A_95 = tpu.vector_load %arg5[%get3A_94] {strides = array<i32>} : memref<6144xf32, #tpu.memory_space<vmem>>, vector<16xf32>,
      %sub3A_96 = vector.broadcast %reduce_min3A_9 : f32 to vector<16xf32>
      %sub3A_97 = arith.subf %get3A_95, %sub3A_96 : vector<16xf32>
      %mul3A_98 = vector.broadcast %reduce_max3A_20 : f32 to vector<16xf32>
      %mul3A_99 = arith.mulf %sub3A_97, %mul3A_98 : vector<16xf32>
      %convert_element_type3A_100 = arith.fptosi %mul3A_99 : vector<16xf32> to vector<16xi32>
      %mul3A_101 = arith.constant 16 : i32
      %mul3A_102 = vector.broadcast %mul3A_101 : i32 to vector<16xi32>
      %mul3A_103 = arith.muli %convert_element_type3A_100, %mul3A_102 : vector<16xi32>
      %add3A_104 = arith.addi %mul3A_103, %iota3A : vector<16xi32>
      %broadcast_in_dim3A_105 = arith.constant 1 : i32
      %broadcast_in_dim3A_106 = vector.broadcast %broadcast_in_dim3A_105 : i32 to vector<16xi32>
      tpu.vector_store_idx %arg8[%add3A_104], %broadcast_in_dim3A_106 {add = true} : memref<16384xi32, #tpu.memory_space<vmem>>[vector<16xi32>], vector<16xi32>,
      %mul3A_107 = arith.constant 4 : i32
      %mul3A_108 = arith.muli %scan3A_68, %mul3A_107 : i32
      %add3A_109 = arith.constant 2 : i32
      %add3A_110 = arith.addi %mul3A_108, %add3A_109 : i32
      %mul3A_111 = arith.constant 16 : i32
      %mul3A_112 = arith.muli %add3A_110, %mul3A_111 : i32
      %get3A_113 = arith.index_cast %mul3A_112 : i32 to index
      %get3A_114 = tpu.vector_load %arg5[%get3A_113] {strides = array<i32>} : memref<6144xf32, #tpu.memory_space<vmem>>, vector<16xf32>,
      %sub3A_115 = vector.broadcast %reduce_min3A_9 : f32 to vector<16xf32>
      %sub3A_116 = arith.subf %get3A_114, %sub3A_115 : vector<16xf32>
      %mul3A_117 = vector.broadcast %reduce_max3A_20 : f32 to vector<16xf32>
      %mul3A_118 = arith.mulf %sub3A_116, %mul3A_117 : vector<16xf32>
      %convert_element_type3A_119 = arith.fptosi %mul3A_118 : vector<16xf32> to vector<16xi32>
      %mul3A_120 = arith.constant 16 : i32
      %mul3A_121 = vector.broadcast %mul3A_120 : i32 to vector<16xi32>
      %mul3A_122 = arith.muli %convert_element_type3A_119, %mul3A_121 : vector<16xi32>
      %add3A_123 = arith.addi %mul3A_122, %iota3A : vector<16xi32>
      %broadcast_in_dim3A_124 = arith.constant 1 : i32
      %broadcast_in_dim3A_125 = vector.broadcast %broadcast_in_dim3A_124 : i32 to vector<16xi32>
      tpu.vector_store_idx %arg8[%add3A_123], %broadcast_in_dim3A_125 {add = true} : memref<16384xi32, #tpu.memory_space<vmem>>[vector<16xi32>], vector<16xi32>,
      %mul3A_126 = arith.constant 4 : i32
      %mul3A_127 = arith.muli %scan3A_68, %mul3A_126 : i32
      %add3A_128 = arith.constant 3 : i32
      %add3A_129 = arith.addi %mul3A_127, %add3A_128 : i32
      %mul3A_130 = arith.constant 16 : i32
      %mul3A_131 = arith.muli %add3A_129, %mul3A_130 : i32
      %get3A_132 = arith.index_cast %mul3A_131 : i32 to index
      %get3A_133 = tpu.vector_load %arg5[%get3A_132] {strides = array<i32>} : memref<6144xf32, #tpu.memory_space<vmem>>, vector<16xf32>,
      %sub3A_134 = vector.broadcast %reduce_min3A_9 : f32 to vector<16xf32>
      %sub3A_135 = arith.subf %get3A_133, %sub3A_134 : vector<16xf32>
      %mul3A_136 = vector.broadcast %reduce_max3A_20 : f32 to vector<16xf32>
      %mul3A_137 = arith.mulf %sub3A_135, %mul3A_136 : vector<16xf32>
      %convert_element_type3A_138 = arith.fptosi %mul3A_137 : vector<16xf32> to vector<16xi32>
      %mul3A_139 = arith.constant 16 : i32
      %mul3A_140 = vector.broadcast %mul3A_139 : i32 to vector<16xi32>
      %mul3A_141 = arith.muli %convert_element_type3A_138, %mul3A_140 : vector<16xi32>
      %add3A_142 = arith.addi %mul3A_141, %iota3A : vector<16xi32>
      %broadcast_in_dim3A_143 = arith.constant 1 : i32
      %broadcast_in_dim3A_144 = vector.broadcast %broadcast_in_dim3A_143 : i32 to vector<16xi32>
      tpu.vector_store_idx %arg8[%add3A_142], %broadcast_in_dim3A_144 {add = true} : memref<16384xi32, #tpu.memory_space<vmem>>[vector<16xi32>], vector<16xi32>,
      %scan3A_145 = arith.constant 0 : i32
      scf.yield %scan3A_145 : i32
    }
    %scan3A_34 = arith.constant 96 : i32
    %scan3A_35 = arith.constant 0 : i32
    %scan3A_36 = arith.constant 0 : i32
    %scan3A_37 = arith.constant 256 : i32
    %scan3A_38 = arith.addi %scan3A_36, %scan3A_37 : i32
    %scan3A_39 = arith.constant 1 : i32
    %scan3A_40 = scf.for %scan3A_68 = %scan3A_36 to %scan3A_38 step %scan3A_39 iter_args(%scan3A_69 = %scan3A_35) -> (i32)  : i32 {
      %mul3A_70 = arith.constant 4 : i32
      %mul3A_71 = arith.muli %scan3A_68, %mul3A_70 : i32
      %add3A_72 = arith.constant 0 : i32
      %add3A_73 = arith.addi %mul3A_71, %add3A_72 : i32
      %sub3A_74 = arith.constant 1023 : i32
      %sub3A_75 = arith.subi %sub3A_74, %add3A_73 : i32
      %mul3A_76 = arith.constant 16 : i32
      %mul3A_77 = arith.muli %sub3A_75, %mul3A_76 : i32
      %get3A_78 = arith.index_cast %mul3A_77 : i32 to index
      %get3A_79 = tpu.vector_load %arg8[%get3A_78] {strides = array<i32>} : memref<16384xi32, #tpu.memory_space<vmem>>, vector<16xi32>,
      %broadcast_in_dim3A_80 = arith.constant true
      %broadcast_in_dim3A_81 = vector.broadcast %broadcast_in_dim3A_80 : i1 to vector<16xi1>
      %masked_cumsum3A = tpu.scan <sum>, %get3A_79 masked %broadcast_in_dim3A_81 : vector<16xi32>, vector<16xi1> -> vector<16xi32>
      %reduce_sum3A_82 = arith.constant true
      %reduce_sum3A_83 = vector.broadcast %reduce_sum3A_82 : i1 to vector<16xi1>
      %reduce_sum3A_84 = tpu.scan <sum>, %get3A_79 masked %reduce_sum3A_83 : vector<16xi32>, vector<16xi1> -> vector<16xi32>
      %reduce_sum3A_85 = vector.extract %reduce_sum3A_84[15] : i32 from vector<16xi32>
      %add3A_86 = arith.addi %scan3A_69, %reduce_sum3A_85 : i32
      %sub3A_87 = vector.broadcast %add3A_86 : i32 to vector<16xi32>
      %sub3A_88 = arith.subi %sub3A_87, %masked_cumsum3A : vector<16xi32>
      %mul3A_89 = arith.constant 16 : i32
      %mul3A_90 = arith.muli %sub3A_75, %mul3A_89 : i32
      %swap3A = arith.index_cast %mul3A_90 : i32 to index
      %swap3A_91 = tpu.vector_load %arg8[%swap3A] {strides = array<i32>} : memref<16384xi32, #tpu.memory_space<vmem>>, vector<16xi32>,
      tpu.vector_store %arg8[%swap3A], %sub3A_88 {strides = array<i32>} : memref<16384xi32, #tpu.memory_space<vmem>>, vector<16xi32>,
      %add3A_92 = arith.addi %scan3A_69, %reduce_sum3A_85 : i32
      %mul3A_93 = arith.constant 4 : i32
      %mul3A_94 = arith.muli %scan3A_68, %mul3A_93 : i32
      %add3A_95 = arith.constant 1 : i32
      %add3A_96 = arith.addi %mul3A_94, %add3A_95 : i32
      %sub3A_97 = arith.constant 1023 : i32
      %sub3A_98 = arith.subi %sub3A_97, %add3A_96 : i32
      %mul3A_99 = arith.constant 16 : i32
      %mul3A_100 = arith.muli %sub3A_98, %mul3A_99 : i32
      %get3A_101 = arith.index_cast %mul3A_100 : i32 to index
      %get3A_102 = tpu.vector_load %arg8[%get3A_101] {strides = array<i32>} : memref<16384xi32, #tpu.memory_space<vmem>>, vector<16xi32>,
      %broadcast_in_dim3A_103 = arith.constant true
      %broadcast_in_dim3A_104 = vector.broadcast %broadcast_in_dim3A_103 : i1 to vector<16xi1>
      %masked_cumsum3A_105 = tpu.scan <sum>, %get3A_102 masked %broadcast_in_dim3A_104 : vector<16xi32>, vector<16xi1> -> vector<16xi32>
      %reduce_sum3A_106 = arith.constant true
      %reduce_sum3A_107 = vector.broadcast %reduce_sum3A_106 : i1 to vector<16xi1>
      %reduce_sum3A_108 = tpu.scan <sum>, %get3A_102 masked %reduce_sum3A_107 : vector<16xi32>, vector<16xi1> -> vector<16xi32>
      %reduce_sum3A_109 = vector.extract %reduce_sum3A_108[15] : i32 from vector<16xi32>
      %add3A_110 = arith.addi %add3A_92, %reduce_sum3A_109 : i32
      %sub3A_111 = vector.broadcast %add3A_110 : i32 to vector<16xi32>
      %sub3A_112 = arith.subi %sub3A_111, %masked_cumsum3A_105 : vector<16xi32>
      %mul3A_113 = arith.constant 16 : i32
      %mul3A_114 = arith.muli %sub3A_98, %mul3A_113 : i32
      %swap3A_115 = arith.index_cast %mul3A_114 : i32 to index
      %swap3A_116 = tpu.vector_load %arg8[%swap3A_115] {strides = array<i32>} : memref<16384xi32, #tpu.memory_space<vmem>>, vector<16xi32>,
      tpu.vector_store %arg8[%swap3A_115], %sub3A_112 {strides = array<i32>} : memref<16384xi32, #tpu.memory_space<vmem>>, vector<16xi32>,
      %add3A_117 = arith.addi %add3A_92, %reduce_sum3A_109 : i32
      %mul3A_118 = arith.constant 4 : i32
      %mul3A_119 = arith.muli %scan3A_68, %mul3A_118 : i32
      %add3A_120 = arith.constant 2 : i32
      %add3A_121 = arith.addi %mul3A_119, %add3A_120 : i32
      %sub3A_122 = arith.constant 1023 : i32
      %sub3A_123 = arith.subi %sub3A_122, %add3A_121 : i32
      %mul3A_124 = arith.constant 16 : i32
      %mul3A_125 = arith.muli %sub3A_123, %mul3A_124 : i32
      %get3A_126 = arith.index_cast %mul3A_125 : i32 to index
      %get3A_127 = tpu.vector_load %arg8[%get3A_126] {strides = array<i32>} : memref<16384xi32, #tpu.memory_space<vmem>>, vector<16xi32>,
      %broadcast_in_dim3A_128 = arith.constant true
      %broadcast_in_dim3A_129 = vector.broadcast %broadcast_in_dim3A_128 : i1 to vector<16xi1>
      %masked_cumsum3A_130 = tpu.scan <sum>, %get3A_127 masked %broadcast_in_dim3A_129 : vector<16xi32>, vector<16xi1> -> vector<16xi32>
      %reduce_sum3A_131 = arith.constant true
      %reduce_sum3A_132 = vector.broadcast %reduce_sum3A_131 : i1 to vector<16xi1>
      %reduce_sum3A_133 = tpu.scan <sum>, %get3A_127 masked %reduce_sum3A_132 : vector<16xi32>, vector<16xi1> -> vector<16xi32>
      %reduce_sum3A_134 = vector.extract %reduce_sum3A_133[15] : i32 from vector<16xi32>
      %add3A_135 = arith.addi %add3A_117, %reduce_sum3A_134 : i32
      %sub3A_136 = vector.broadcast %add3A_135 : i32 to vector<16xi32>
      %sub3A_137 = arith.subi %sub3A_136, %masked_cumsum3A_130 : vector<16xi32>
      %mul3A_138 = arith.constant 16 : i32
      %mul3A_139 = arith.muli %sub3A_123, %mul3A_138 : i32
      %swap3A_140 = arith.index_cast %mul3A_139 : i32 to index
      %swap3A_141 = tpu.vector_load %arg8[%swap3A_140] {strides = array<i32>} : memref<16384xi32, #tpu.memory_space<vmem>>, vector<16xi32>,
      tpu.vector_store %arg8[%swap3A_140], %sub3A_137 {strides = array<i32>} : memref<16384xi32, #tpu.memory_space<vmem>>, vector<16xi32>,
      %add3A_142 = arith.addi %add3A_117, %reduce_sum3A_134 : i32
      %mul3A_143 = arith.constant 4 : i32
      %mul3A_144 = arith.muli %scan3A_68, %mul3A_143 : i32
      %add3A_145 = arith.constant 3 : i32
      %add3A_146 = arith.addi %mul3A_144, %add3A_145 : i32
      %sub3A_147 = arith.constant 1023 : i32
      %sub3A_148 = arith.subi %sub3A_147, %add3A_146 : i32
      %mul3A_149 = arith.constant 16 : i32
      %mul3A_150 = arith.muli %sub3A_148, %mul3A_149 : i32
      %get3A_151 = arith.index_cast %mul3A_150 : i32 to index
      %get3A_152 = tpu.vector_load %arg8[%get3A_151] {strides = array<i32>} : memref<16384xi32, #tpu.memory_space<vmem>>, vector<16xi32>,
      %broadcast_in_dim3A_153 = arith.constant true
      %broadcast_in_dim3A_154 = vector.broadcast %broadcast_in_dim3A_153 : i1 to vector<16xi1>
      %masked_cumsum3A_155 = tpu.scan <sum>, %get3A_152 masked %broadcast_in_dim3A_154 : vector<16xi32>, vector<16xi1> -> vector<16xi32>
      %reduce_sum3A_156 = arith.constant true
      %reduce_sum3A_157 = vector.broadcast %reduce_sum3A_156 : i1 to vector<16xi1>
      %reduce_sum3A_158 = tpu.scan <sum>, %get3A_152 masked %reduce_sum3A_157 : vector<16xi32>, vector<16xi1> -> vector<16xi32>
      %reduce_sum3A_159 = vector.extract %reduce_sum3A_158[15] : i32 from vector<16xi32>
      %add3A_160 = arith.addi %add3A_142, %reduce_sum3A_159 : i32
      %sub3A_161 = vector.broadcast %add3A_160 : i32 to vector<16xi32>
      %sub3A_162 = arith.subi %sub3A_161, %masked_cumsum3A_155 : vector<16xi32>
      %mul3A_163 = arith.constant 16 : i32
      %mul3A_164 = arith.muli %sub3A_148, %mul3A_163 : i32
      %swap3A_165 = arith.index_cast %mul3A_164 : i32 to index
      %swap3A_166 = tpu.vector_load %arg8[%swap3A_165] {strides = array<i32>} : memref<16384xi32, #tpu.memory_space<vmem>>, vector<16xi32>,
      tpu.vector_store %arg8[%swap3A_165], %sub3A_162 {strides = array<i32>} : memref<16384xi32, #tpu.memory_space<vmem>>, vector<16xi32>,
      %add3A_167 = arith.addi %add3A_142, %reduce_sum3A_159 : i32
      scf.yield %add3A_167 : i32
    }
    %scan3A_41 = arith.constant 256 : i32
    %broadcast_in_dim3A_42 = arith.constant 0.000000e+00 : f32
    %broadcast_in_dim3A_43 = vector.broadcast %broadcast_in_dim3A_42 : f32 to vector<16xf32>
    %scan3A_44 = arith.constant 0 : i32
    %scan3A_45 = arith.constant 96 : i32
    %scan3A_46 = arith.addi %scan3A_44, %scan3A_45 : i32
    %scan3A_47 = arith.constant 1 : i32
    %scan3A_48 = scf.for %scan3A_68 = %scan3A_44 to %scan3A_46 step %scan3A_47 iter_args(%scan3A_69 = %broadcast_in_dim3A_43) -> (vector<16xf32>)  : i32 {
      %mul3A_70 = arith.constant 4 : i32
      %mul3A_71 = arith.muli %scan3A_68, %mul3A_70 : i32
      %add3A_72 = arith.constant 0 : i32
      %add3A_73 = arith.addi %mul3A_71, %add3A_72 : i32
      %mul3A_74 = arith.constant 16 : i32
      %mul3A_75 = arith.muli %add3A_73, %mul3A_74 : i32
      %get3A_76 = arith.index_cast %mul3A_75 : i32 to index
      %get3A_77 = tpu.vector_load %arg5[%get3A_76] {strides = array<i32>} : memref<6144xf32, #tpu.memory_space<vmem>>, vector<16xf32>,
      %sub3A_78 = vector.broadcast %reduce_min3A_9 : f32 to vector<16xf32>
      %sub3A_79 = arith.subf %get3A_77, %sub3A_78 : vector<16xf32>
      %mul3A_80 = vector.broadcast %reduce_max3A_20 : f32 to vector<16xf32>
      %mul3A_81 = arith.mulf %sub3A_79, %mul3A_80 : vector<16xf32>
      %convert_element_type3A = arith.fptosi %mul3A_81 : vector<16xf32> to vector<16xi32>
      %mul3A_82 = arith.constant 16 : i32
      %mul3A_83 = vector.broadcast %mul3A_82 : i32 to vector<16xi32>
      %mul3A_84 = arith.muli %convert_element_type3A, %mul3A_83 : vector<16xi32>
      %add3A_85 = arith.addi %mul3A_84, %iota3A : vector<16xi32>
      %mul3A_86 = arith.constant 16 : i32
      %mul3A_87 = arith.muli %add3A_73, %mul3A_86 : i32
      %get3A_88 = arith.index_cast %mul3A_87 : i32 to index
      %get3A_89 = tpu.vector_load %arg6[%get3A_88] {strides = array<i32>} : memref<6144xf32, #tpu.memory_space<vmem>>, vector<16xf32>,
      %gather3A = tpu.vector_load_idx %arg8[%add3A_85] : memref<16384xi32, #tpu.memory_space<vmem>>[vector<16xi32>], vector<16xi32>,
      %broadcast_in_dim3A_90 = arith.constant 1 : i32
      %broadcast_in_dim3A_91 = vector.broadcast %broadcast_in_dim3A_90 : i32 to vector<16xi32>
      tpu.vector_store_idx %arg8[%add3A_85], %broadcast_in_dim3A_91 {add = true} : memref<16384xi32, #tpu.memory_space<vmem>>[vector<16xi32>], vector<16xi32>,
      %sub3A_92 = vector.broadcast %reduce_max3A_12 : f32 to vector<16xf32>
      %sub3A_93 = arith.subf %get3A_77, %sub3A_92 : vector<16xf32>
      %exp3A = math.exp %sub3A_93 : vector<16xf32>
      %lt3A = arith.constant 2048 : i32
      %lt3A_94 = vector.broadcast %lt3A : i32 to vector<16xi32>
      %lt3A_95 = arith.cmpi slt, %gather3A, %lt3A_94 : vector<16xi32>
      %min3A = arith.constant 2047 : i32
      %min3A_96 = vector.broadcast %min3A : i32 to vector<16xi32>
      %min3A_97 = arith.minsi %gather3A, %min3A_96 : vector<16xi32>
      %mul3A_98 = arith.mulf %exp3A, %get3A_89 : vector<16xf32>
      tpu.vector_store_idx %arg7[%min3A_97], %mul3A_98 masked %lt3A_95 : memref<2048xf32, #tpu.memory_space<vmem>>[vector<16xi32>], vector<16xf32>, vector<16xi1>
      %jit3A = arith.constant 0.000000e+00 : f32
      %broadcast_in_dim3A_99 = vector.broadcast %jit3A : f32 to vector<16xf32>
      %select_n3A = arith.select %lt3A_95, %exp3A, %broadcast_in_dim3A_99 : vector<16xi1>, vector<16xf32>
      %add3A_100 = arith.addf %scan3A_69, %select_n3A : vector<16xf32>
      %mul3A_101 = arith.constant 4 : i32
      %mul3A_102 = arith.muli %scan3A_68, %mul3A_101 : i32
      %add3A_103 = arith.constant 1 : i32
      %add3A_104 = arith.addi %mul3A_102, %add3A_103 : i32
      %mul3A_105 = arith.constant 16 : i32
      %mul3A_106 = arith.muli %add3A_104, %mul3A_105 : i32
      %get3A_107 = arith.index_cast %mul3A_106 : i32 to index
      %get3A_108 = tpu.vector_load %arg5[%get3A_107] {strides = array<i32>} : memref<6144xf32, #tpu.memory_space<vmem>>, vector<16xf32>,
      %sub3A_109 = vector.broadcast %reduce_min3A_9 : f32 to vector<16xf32>
      %sub3A_110 = arith.subf %get3A_108, %sub3A_109 : vector<16xf32>
      %mul3A_111 = vector.broadcast %reduce_max3A_20 : f32 to vector<16xf32>
      %mul3A_112 = arith.mulf %sub3A_110, %mul3A_111 : vector<16xf32>
      %convert_element_type3A_113 = arith.fptosi %mul3A_112 : vector<16xf32> to vector<16xi32>
      %mul3A_114 = arith.constant 16 : i32
      %mul3A_115 = vector.broadcast %mul3A_114 : i32 to vector<16xi32>
      %mul3A_116 = arith.muli %convert_element_type3A_113, %mul3A_115 : vector<16xi32>
      %add3A_117 = arith.addi %mul3A_116, %iota3A : vector<16xi32>
      %mul3A_118 = arith.constant 16 : i32
      %mul3A_119 = arith.muli %add3A_104, %mul3A_118 : i32
      %get3A_120 = arith.index_cast %mul3A_119 : i32 to index
      %get3A_121 = tpu.vector_load %arg6[%get3A_120] {strides = array<i32>} : memref<6144xf32, #tpu.memory_space<vmem>>, vector<16xf32>,
      %gather3A_122 = tpu.vector_load_idx %arg8[%add3A_117] : memref<16384xi32, #tpu.memory_space<vmem>>[vector<16xi32>], vector<16xi32>,
      %broadcast_in_dim3A_123 = arith.constant 1 : i32
      %broadcast_in_dim3A_124 = vector.broadcast %broadcast_in_dim3A_123 : i32 to vector<16xi32>
      tpu.vector_store_idx %arg8[%add3A_117], %broadcast_in_dim3A_124 {add = true} : memref<16384xi32, #tpu.memory_space<vmem>>[vector<16xi32>], vector<16xi32>,
      %sub3A_125 = vector.broadcast %reduce_max3A_12 : f32 to vector<16xf32>
      %sub3A_126 = arith.subf %get3A_108, %sub3A_125 : vector<16xf32>
      %exp3A_127 = math.exp %sub3A_126 : vector<16xf32>
      %lt3A_128 = arith.constant 2048 : i32
      %lt3A_129 = vector.broadcast %lt3A_128 : i32 to vector<16xi32>
      %lt3A_130 = arith.cmpi slt, %gather3A_122, %lt3A_129 : vector<16xi32>
      %min3A_131 = arith.constant 2047 : i32
      %min3A_132 = vector.broadcast %min3A_131 : i32 to vector<16xi32>
      %min3A_133 = arith.minsi %gather3A_122, %min3A_132 : vector<16xi32>
      %mul3A_134 = arith.mulf %exp3A_127, %get3A_121 : vector<16xf32>
      tpu.vector_store_idx %arg7[%min3A_133], %mul3A_134 masked %lt3A_130 : memref<2048xf32, #tpu.memory_space<vmem>>[vector<16xi32>], vector<16xf32>, vector<16xi1>
      %jit3A_135 = arith.constant 0.000000e+00 : f32
      %broadcast_in_dim3A_136 = vector.broadcast %jit3A_135 : f32 to vector<16xf32>
      %select_n3A_137 = arith.select %lt3A_130, %exp3A_127, %broadcast_in_dim3A_136 : vector<16xi1>, vector<16xf32>
      %add3A_138 = arith.addf %add3A_100, %select_n3A_137 : vector<16xf32>
      %mul3A_139 = arith.constant 4 : i32
      %mul3A_140 = arith.muli %scan3A_68, %mul3A_139 : i32
      %add3A_141 = arith.constant 2 : i32
      %add3A_142 = arith.addi %mul3A_140, %add3A_141 : i32
      %mul3A_143 = arith.constant 16 : i32
      %mul3A_144 = arith.muli %add3A_142, %mul3A_143 : i32
      %get3A_145 = arith.index_cast %mul3A_144 : i32 to index
      %get3A_146 = tpu.vector_load %arg5[%get3A_145] {strides = array<i32>} : memref<6144xf32, #tpu.memory_space<vmem>>, vector<16xf32>,
      %sub3A_147 = vector.broadcast %reduce_min3A_9 : f32 to vector<16xf32>
      %sub3A_148 = arith.subf %get3A_146, %sub3A_147 : vector<16xf32>
      %mul3A_149 = vector.broadcast %reduce_max3A_20 : f32 to vector<16xf32>
      %mul3A_150 = arith.mulf %sub3A_148, %mul3A_149 : vector<16xf32>
      %convert_element_type3A_151 = arith.fptosi %mul3A_150 : vector<16xf32> to vector<16xi32>
      %mul3A_152 = arith.constant 16 : i32
      %mul3A_153 = vector.broadcast %mul3A_152 : i32 to vector<16xi32>
      %mul3A_154 = arith.muli %convert_element_type3A_151, %mul3A_153 : vector<16xi32>
      %add3A_155 = arith.addi %mul3A_154, %iota3A : vector<16xi32>
      %mul3A_156 = arith.constant 16 : i32
      %mul3A_157 = arith.muli %add3A_142, %mul3A_156 : i32
      %get3A_158 = arith.index_cast %mul3A_157 : i32 to index
      %get3A_159 = tpu.vector_load %arg6[%get3A_158] {strides = array<i32>} : memref<6144xf32, #tpu.memory_space<vmem>>, vector<16xf32>,
      %gather3A_160 = tpu.vector_load_idx %arg8[%add3A_155] : memref<16384xi32, #tpu.memory_space<vmem>>[vector<16xi32>], vector<16xi32>,
      %broadcast_in_dim3A_161 = arith.constant 1 : i32
      %broadcast_in_dim3A_162 = vector.broadcast %broadcast_in_dim3A_161 : i32 to vector<16xi32>
      tpu.vector_store_idx %arg8[%add3A_155], %broadcast_in_dim3A_162 {add = true} : memref<16384xi32, #tpu.memory_space<vmem>>[vector<16xi32>], vector<16xi32>,
      %sub3A_163 = vector.broadcast %reduce_max3A_12 : f32 to vector<16xf32>
      %sub3A_164 = arith.subf %get3A_146, %sub3A_163 : vector<16xf32>
      %exp3A_165 = math.exp %sub3A_164 : vector<16xf32>
      %lt3A_166 = arith.constant 2048 : i32
      %lt3A_167 = vector.broadcast %lt3A_166 : i32 to vector<16xi32>
      %lt3A_168 = arith.cmpi slt, %gather3A_160, %lt3A_167 : vector<16xi32>
      %min3A_169 = arith.constant 2047 : i32
      %min3A_170 = vector.broadcast %min3A_169 : i32 to vector<16xi32>
      %min3A_171 = arith.minsi %gather3A_160, %min3A_170 : vector<16xi32>
      %mul3A_172 = arith.mulf %exp3A_165, %get3A_159 : vector<16xf32>
      tpu.vector_store_idx %arg7[%min3A_171], %mul3A_172 masked %lt3A_168 : memref<2048xf32, #tpu.memory_space<vmem>>[vector<16xi32>], vector<16xf32>, vector<16xi1>
      %jit3A_173 = arith.constant 0.000000e+00 : f32
      %broadcast_in_dim3A_174 = vector.broadcast %jit3A_173 : f32 to vector<16xf32>
      %select_n3A_175 = arith.select %lt3A_168, %exp3A_165, %broadcast_in_dim3A_174 : vector<16xi1>, vector<16xf32>
      %add3A_176 = arith.addf %add3A_138, %select_n3A_175 : vector<16xf32>
      %mul3A_177 = arith.constant 4 : i32
      %mul3A_178 = arith.muli %scan3A_68, %mul3A_177 : i32
      %add3A_179 = arith.constant 3 : i32
      %add3A_180 = arith.addi %mul3A_178, %add3A_179 : i32
      %mul3A_181 = arith.constant 16 : i32
      %mul3A_182 = arith.muli %add3A_180, %mul3A_181 : i32
      %get3A_183 = arith.index_cast %mul3A_182 : i32 to index
      %get3A_184 = tpu.vector_load %arg5[%get3A_183] {strides = array<i32>} : memref<6144xf32, #tpu.memory_space<vmem>>, vector<16xf32>,
      %sub3A_185 = vector.broadcast %reduce_min3A_9 : f32 to vector<16xf32>
      %sub3A_186 = arith.subf %get3A_184, %sub3A_185 : vector<16xf32>
      %mul3A_187 = vector.broadcast %reduce_max3A_20 : f32 to vector<16xf32>
      %mul3A_188 = arith.mulf %sub3A_186, %mul3A_187 : vector<16xf32>
      %convert_element_type3A_189 = arith.fptosi %mul3A_188 : vector<16xf32> to vector<16xi32>
      %mul3A_190 = arith.constant 16 : i32
      %mul3A_191 = vector.broadcast %mul3A_190 : i32 to vector<16xi32>
      %mul3A_192 = arith.muli %convert_element_type3A_189, %mul3A_191 : vector<16xi32>
      %add3A_193 = arith.addi %mul3A_192, %iota3A : vector<16xi32>
      %mul3A_194 = arith.constant 16 : i32
      %mul3A_195 = arith.muli %add3A_180, %mul3A_194 : i32
      %get3A_196 = arith.index_cast %mul3A_195 : i32 to index
      %get3A_197 = tpu.vector_load %arg6[%get3A_196] {strides = array<i32>} : memref<6144xf32, #tpu.memory_space<vmem>>, vector<16xf32>,
      %gather3A_198 = tpu.vector_load_idx %arg8[%add3A_193] : memref<16384xi32, #tpu.memory_space<vmem>>[vector<16xi32>], vector<16xi32>,
      %broadcast_in_dim3A_199 = arith.constant 1 : i32
      %broadcast_in_dim3A_200 = vector.broadcast %broadcast_in_dim3A_199 : i32 to vector<16xi32>
      tpu.vector_store_idx %arg8[%add3A_193], %broadcast_in_dim3A_200 {add = true} : memref<16384xi32, #tpu.memory_space<vmem>>[vector<16xi32>], vector<16xi32>,
      %sub3A_201 = vector.broadcast %reduce_max3A_12 : f32 to vector<16xf32>
      %sub3A_202 = arith.subf %get3A_184, %sub3A_201 : vector<16xf32>
      %exp3A_203 = math.exp %sub3A_202 : vector<16xf32>
      %lt3A_204 = arith.constant 2048 : i32
      %lt3A_205 = vector.broadcast %lt3A_204 : i32 to vector<16xi32>
      %lt3A_206 = arith.cmpi slt, %gather3A_198, %lt3A_205 : vector<16xi32>
      %min3A_207 = arith.constant 2047 : i32
      %min3A_208 = vector.broadcast %min3A_207 : i32 to vector<16xi32>
      %min3A_209 = arith.minsi %gather3A_198, %min3A_208 : vector<16xi32>
      %mul3A_210 = arith.mulf %exp3A_203, %get3A_197 : vector<16xf32>
      tpu.vector_store_idx %arg7[%min3A_209], %mul3A_210 masked %lt3A_206 : memref<2048xf32, #tpu.memory_space<vmem>>[vector<16xi32>], vector<16xf32>, vector<16xi1>
      %jit3A_211 = arith.constant 0.000000e+00 : f32
      %broadcast_in_dim3A_212 = vector.broadcast %jit3A_211 : f32 to vector<16xf32>
      %select_n3A_213 = arith.select %lt3A_206, %exp3A_203, %broadcast_in_dim3A_212 : vector<16xi1>, vector<16xf32>
      %add3A_214 = arith.addf %add3A_176, %select_n3A_213 : vector<16xf32>
      scf.yield %add3A_214 : vector<16xf32>
    }
    %scan3A_49 = arith.constant 96 : i32
    %broadcast_in_dim3A_50 = arith.constant 1.000000e+00 : f32
    %broadcast_in_dim3A_51 = vector.broadcast %broadcast_in_dim3A_50 : f32 to vector<16xf32>
    %reduce_sum3A = arith.constant true
    %reduce_sum3A_52 = vector.broadcast %reduce_sum3A : i1 to vector<16xi1>
    %reduce_sum3A_53 = tpu.scan <sum>, %scan3A_48 masked %reduce_sum3A_52 : vector<16xf32>, vector<16xi1> -> vector<16xf32>
    %reduce_sum3A_54 = vector.extract %reduce_sum3A_53[15] : f32 from vector<16xf32>
    %broadcast_in_dim3A_55 = vector.broadcast %reduce_sum3A_54 : f32 to vector<16xf32>
    %div3A_56 = arith.divf %broadcast_in_dim3A_51, %broadcast_in_dim3A_55 : vector<16xf32>
    %reduce_max3A_57 = arith.constant true
    %reduce_max3A_58 = vector.broadcast %reduce_max3A_57 : i1 to vector<16xi1>
    %reduce_max3A_59 = tpu.scan <max>, %div3A_56 masked %reduce_max3A_58 : vector<16xf32>, vector<16xi1> -> vector<16xf32>
    %reduce_max3A_60 = vector.extract %reduce_max3A_59[15] : f32 from vector<16xf32>
    %scan3A_61 = arith.constant 0 : i32
    %scan3A_62 = arith.constant 0 : i32
    %scan3A_63 = arith.constant 32 : i32
    %scan3A_64 = arith.addi %scan3A_62, %scan3A_63 : i32
    %scan3A_65 = arith.constant 1 : i32
    %scan3A_66 = scf.for %scan3A_68 = %scan3A_62 to %scan3A_64 step %scan3A_65 iter_args(%scan3A_69 = %scan3A_61) -> (i32)  : i32 {
      %mul3A_70 = arith.constant 4 : i32
      %mul3A_71 = arith.muli %scan3A_68, %mul3A_70 : i32
      %add3A_72 = arith.constant 0 : i32
      %add3A_73 = arith.addi %mul3A_71, %add3A_72 : i32
      %mul3A_74 = arith.constant 16 : i32
      %mul3A_75 = arith.muli %add3A_73, %mul3A_74 : i32
      %get3A_76 = arith.index_cast %mul3A_75 : i32 to index
      %get3A_77 = tpu.vector_load %arg7[%get3A_76] {strides = array<i32>} : memref<2048xf32, #tpu.memory_space<vmem>>, vector<16xf32>,
      %mul3A_78 = vector.broadcast %reduce_max3A_60 : f32 to vector<16xf32>
      %mul3A_79 = arith.mulf %get3A_77, %mul3A_78 : vector<16xf32>
      %mul3A_80 = arith.constant 16 : i32
      %mul3A_81 = arith.muli %add3A_73, %mul3A_80 : i32
      %swap3A = arith.index_cast %mul3A_81 : i32 to index
      %swap3A_82 = tpu.vector_load %arg7[%swap3A] {strides = array<i32>} : memref<2048xf32, #tpu.memory_space<vmem>>, vector<16xf32>,
      tpu.vector_store %arg7[%swap3A], %mul3A_79 {strides = array<i32>} : memref<2048xf32, #tpu.memory_space<vmem>>, vector<16xf32>,
      %mul3A_83 = arith.constant 4 : i32
      %mul3A_84 = arith.muli %scan3A_68, %mul3A_83 : i32
      %add3A_85 = arith.constant 1 : i32
      %add3A_86 = arith.addi %mul3A_84, %add3A_85 : i32
      %mul3A_87 = arith.constant 16 : i32
      %mul3A_88 = arith.muli %add3A_86, %mul3A_87 : i32
      %get3A_89 = arith.index_cast %mul3A_88 : i32 to index
      %get3A_90 = tpu.vector_load %arg7[%get3A_89] {strides = array<i32>} : memref<2048xf32, #tpu.memory_space<vmem>>, vector<16xf32>,
      %mul3A_91 = vector.broadcast %reduce_max3A_60 : f32 to vector<16xf32>
      %mul3A_92 = arith.mulf %get3A_90, %mul3A_91 : vector<16xf32>
      %mul3A_93 = arith.constant 16 : i32
      %mul3A_94 = arith.muli %add3A_86, %mul3A_93 : i32
      %swap3A_95 = arith.index_cast %mul3A_94 : i32 to index
      %swap3A_96 = tpu.vector_load %arg7[%swap3A_95] {strides = array<i32>} : memref<2048xf32, #tpu.memory_space<vmem>>, vector<16xf32>,
      tpu.vector_store %arg7[%swap3A_95], %mul3A_92 {strides = array<i32>} : memref<2048xf32, #tpu.memory_space<vmem>>, vector<16xf32>,
      %mul3A_97 = arith.constant 4 : i32
      %mul3A_98 = arith.muli %scan3A_68, %mul3A_97 : i32
      %add3A_99 = arith.constant 2 : i32
      %add3A_100 = arith.addi %mul3A_98, %add3A_99 : i32
      %mul3A_101 = arith.constant 16 : i32
      %mul3A_102 = arith.muli %add3A_100, %mul3A_101 : i32
      %get3A_103 = arith.index_cast %mul3A_102 : i32 to index
      %get3A_104 = tpu.vector_load %arg7[%get3A_103] {strides = array<i32>} : memref<2048xf32, #tpu.memory_space<vmem>>, vector<16xf32>,
      %mul3A_105 = vector.broadcast %reduce_max3A_60 : f32 to vector<16xf32>
      %mul3A_106 = arith.mulf %get3A_104, %mul3A_105 : vector<16xf32>
      %mul3A_107 = arith.constant 16 : i32
      %mul3A_108 = arith.muli %add3A_100, %mul3A_107 : i32
      %swap3A_109 = arith.index_cast %mul3A_108 : i32 to index
      %swap3A_110 = tpu.vector_load %arg7[%swap3A_109] {strides = array<i32>} : memref<2048xf32, #tpu.memory_space<vmem>>, vector<16xf32>,
      tpu.vector_store %arg7[%swap3A_109], %mul3A_106 {strides = array<i32>} : memref<2048xf32, #tpu.memory_space<vmem>>, vector<16xf32>,
      %mul3A_111 = arith.constant 4 : i32
      %mul3A_112 = arith.muli %scan3A_68, %mul3A_111 : i32
      %add3A_113 = arith.constant 3 : i32
      %add3A_114 = arith.addi %mul3A_112, %add3A_113 : i32
      %mul3A_115 = arith.constant 16 : i32
      %mul3A_116 = arith.muli %add3A_114, %mul3A_115 : i32
      %get3A_117 = arith.index_cast %mul3A_116 : i32 to index
      %get3A_118 = tpu.vector_load %arg7[%get3A_117] {strides = array<i32>} : memref<2048xf32, #tpu.memory_space<vmem>>, vector<16xf32>,
      %mul3A_119 = vector.broadcast %reduce_max3A_60 : f32 to vector<16xf32>
      %mul3A_120 = arith.mulf %get3A_118, %mul3A_119 : vector<16xf32>
      %mul3A_121 = arith.constant 16 : i32
      %mul3A_122 = arith.muli %add3A_114, %mul3A_121 : i32
      %swap3A_123 = arith.index_cast %mul3A_122 : i32 to index
      %swap3A_124 = tpu.vector_load %arg7[%swap3A_123] {strides = array<i32>} : memref<2048xf32, #tpu.memory_space<vmem>>, vector<16xf32>,
      tpu.vector_store %arg7[%swap3A_123], %mul3A_120 {strides = array<i32>} : memref<2048xf32, #tpu.memory_space<vmem>>, vector<16xf32>,
      %scan3A_125 = arith.constant 0 : i32
      scf.yield %scan3A_125 : i32
    }
    %scan3A_67 = arith.constant 32 : i32
    "tpu.region"() ({
      %run_scoped3A = tpu.sem_alloc : memref<!tpu.dma_semaphore, #tpu.memory_space<semaphore_mem>>
      %dma_start3A = arith.constant 0 : i32
      %dma_start3A_68 = tpu.memref_slice %arg4[%add3A, %dma_start3A] : memref<32x2048xf32, #tpu.memory_space<hbm>> -> memref<1x2048xf32, #tpu.memory_space<hbm>>
      %dma_start3A_69 = tpu.memref_squeeze %dma_start3A_68 : memref<1x2048xf32, #tpu.memory_space<hbm>> -> memref<2048xf32, #tpu.memory_space<hbm>>
      %dma_start3A_70 = arith.constant 0 : i32
      %dma_start3A_71 = tpu.memref_slice %arg4[%add3A, %dma_start3A_70] : memref<32x2048xf32, #tpu.memory_space<hbm>> -> memref<1x2048xf32, #tpu.memory_space<hbm>>
      %dma_start3A_72 = tpu.memref_squeeze %dma_start3A_71 : memref<1x2048xf32, #tpu.memory_space<hbm>> -> memref<2048xf32, #tpu.memory_space<hbm>>
      tpu.enqueue_dma source(%arg7 : memref<2048xf32, #tpu.memory_space<vmem>>) target(%dma_start3A_72 : memref<2048xf32, #tpu.memory_space<hbm>>) target_semaphore(%run_scoped3A : memref<!tpu.dma_semaphore, #tpu.memory_space<semaphore_mem>>)
      %dma_wait3A = arith.constant 0 : i32
      %dma_wait3A_73 = tpu.memref_slice %arg4[%add3A, %dma_wait3A] : memref<32x2048xf32, #tpu.memory_space<hbm>> -> memref<1x2048xf32, #tpu.memory_space<hbm>>
      %dma_wait3A_74 = tpu.memref_squeeze %dma_wait3A_73 : memref<1x2048xf32, #tpu.memory_space<hbm>> -> memref<2048xf32, #tpu.memory_space<hbm>>
      %dma_wait3A_75 = arith.constant 0 : i32
      %dma_wait3A_76 = tpu.memref_slice %arg4[%add3A, %dma_wait3A_75] : memref<32x2048xf32, #tpu.memory_space<hbm>> -> memref<1x2048xf32, #tpu.memory_space<hbm>>
      %dma_wait3A_77 = tpu.memref_squeeze %dma_wait3A_76 : memref<1x2048xf32, #tpu.memory_space<hbm>> -> memref<2048xf32, #tpu.memory_space<hbm>>
      tpu.wait_dma2 semaphore(%run_scoped3A : memref<!tpu.dma_semaphore, #tpu.memory_space<semaphore_mem>>) src(%arg7 : memref<2048xf32, #tpu.memory_space<vmem>>) dst(%dma_wait3A_77 : memref<2048xf32, #tpu.memory_space<hbm>>)
      tpu.yield
    }) : () -> ()
    return
  }
}

module attributes {stable_mosaic.version = 14 : i64} {
  func.func @_scorer1_kernel(%arg0: i32, %arg1: i32, %arg2: memref<32x512xf32, #tpu.memory_space<vmem>>, %arg3: memref<32x512xf32, #tpu.memory_space<vmem>>, %arg4: memref<512x3072xf32, #tpu.memory_space<vmem>>, %arg5: memref<1x3072xf32, #tpu.memory_space<vmem>>, %arg6: memref<32x3072xf32, #tpu.memory_space<vmem>>, %arg7: memref<32x3072xf32, #tpu.memory_space<vmem>>) attributes {dimension_semantics = [#tpu.dimension_semantics<parallel>, #tpu.dimension_semantics<arbitrary>], iteration_bounds = array<i64: 1, 14>, scalar_prefetch = 0 : i64, scratch_operands = 1 : i64, tpu.core_type = #tpu.core_type<tc>, window_params = [{transform_indices = @transform_0, window_bounds = array<i64: 32, 512>}, {transform_indices = @transform_1, window_bounds = array<i64: 32, 512>}, {transform_indices = @transform_2, window_bounds = array<i64: 512, 3072>}, {transform_indices = @transform_3, window_bounds = array<i64: 1, 3072>}, {transform_indices = @transform_4, window_bounds = array<i64: 32, 3072>}]} {
    %eq3A = arith.constant 0 : i32
    %eq3A_0 = arith.cmpi eq, %arg1, %eq3A : i32
    %convert_element_type3A = arith.extui %eq3A_0 : i1 to i32
    %cond3A = arith.constant 0 : i32
    %cond3A_1 = arith.cmpi ne, %convert_element_type3A, %cond3A : i32
    scf.if %cond3A_1 {
      %broadcast_in_dim3A = arith.constant 0.000000e+00 : f32
      %broadcast_in_dim3A_15 = vector.broadcast %broadcast_in_dim3A : f32 to vector<32x3072xf32>
      %swap3A = arith.constant 0 : index
      %swap3A_16 = arith.constant 0 : index
      %swap3A_17 = vector.load %arg7[%swap3A, %swap3A_16] : memref<32x3072xf32, #tpu.memory_space<vmem>>, vector<32x3072xf32>
      tpu.vector_store %arg7[%swap3A, %swap3A_16], %broadcast_in_dim3A_15 {strides = array<i32>} : memref<32x3072xf32, #tpu.memory_space<vmem>>, vector<32x3072xf32>,
    } else {
    }
    %lt3A = arith.constant 12 : i32
    %lt3A_2 = arith.cmpi slt, %arg1, %lt3A : i32
    %convert_element_type3A_3 = arith.extui %lt3A_2 : i1 to i32
    %cond3A_4 = arith.constant 0 : i32
    %cond3A_5 = arith.cmpi ne, %convert_element_type3A_3, %cond3A_4 : i32
    scf.if %cond3A_5 {
      %get3A = arith.constant 0 : index
      %get3A_15 = arith.constant 0 : index
      %get3A_16 = vector.load %arg7[%get3A, %get3A_15] : memref<32x3072xf32, #tpu.memory_space<vmem>>, vector<32x3072xf32>
      %get3A_17 = arith.constant 0 : index
      %get3A_18 = arith.constant 0 : index
      %get3A_19 = vector.load %arg2[%get3A_17, %get3A_18] : memref<32x512xf32, #tpu.memory_space<vmem>>, vector<32x512xf32>
      %convert_element_type3A_20 = arith.truncf %get3A_19 : vector<32x512xf32> to vector<32x512xbf16>
      %get3A_21 = arith.constant 0 : index
      %get3A_22 = arith.constant 0 : index
      %get3A_23 = vector.load %arg4[%get3A_21, %get3A_22] : memref<512x3072xf32, #tpu.memory_space<vmem>>, vector<512x3072xf32>
      %convert_element_type3A_24 = arith.truncf %get3A_23 : vector<512x3072xf32> to vector<512x3072xbf16>
      %dot_general3A = arith.constant dense<0.000000e+00> : vector<32x3072xf32>
      %dot_general3A_25 = tpu.matmul %convert_element_type3A_20, %convert_element_type3A_24, %dot_general3A {dimension_numbers = #tpu.dot_dimension_numbers<[1], [0], [0], [1], [0, 0, 1, 1], [], []>, transpose_lhs_hint = false} : vector<32x512xbf16>, vector<512x3072xbf16>, vector<32x3072xf32> -> vector<32x3072xf32>
      %add3A = arith.addf %get3A_16, %dot_general3A_25 : vector<32x3072xf32>
      %swap3A = arith.constant 0 : index
      %swap3A_26 = arith.constant 0 : index
      %swap3A_27 = vector.load %arg7[%swap3A, %swap3A_26] : memref<32x3072xf32, #tpu.memory_space<vmem>>, vector<32x3072xf32>
      tpu.vector_store %arg7[%swap3A, %swap3A_26], %add3A {strides = array<i32>} : memref<32x3072xf32, #tpu.memory_space<vmem>>, vector<32x3072xf32>,
    } else {
    }
    %ge3A = arith.constant 12 : i32
    %ge3A_6 = arith.cmpi sge, %arg1, %ge3A : i32
    %convert_element_type3A_7 = arith.extui %ge3A_6 : i1 to i32
    %cond3A_8 = arith.constant 0 : i32
    %cond3A_9 = arith.cmpi ne, %convert_element_type3A_7, %cond3A_8 : i32
    scf.if %cond3A_9 {
      %get3A = arith.constant 0 : index
      %get3A_15 = arith.constant 0 : index
      %get3A_16 = vector.load %arg7[%get3A, %get3A_15] : memref<32x3072xf32, #tpu.memory_space<vmem>>, vector<32x3072xf32>
      %get3A_17 = arith.constant 0 : index
      %get3A_18 = arith.constant 0 : index
      %get3A_19 = vector.load %arg3[%get3A_17, %get3A_18] : memref<32x512xf32, #tpu.memory_space<vmem>>, vector<32x512xf32>
      %convert_element_type3A_20 = arith.truncf %get3A_19 : vector<32x512xf32> to vector<32x512xbf16>
      %get3A_21 = arith.constant 0 : index
      %get3A_22 = arith.constant 0 : index
      %get3A_23 = vector.load %arg4[%get3A_21, %get3A_22] : memref<512x3072xf32, #tpu.memory_space<vmem>>, vector<512x3072xf32>
      %convert_element_type3A_24 = arith.truncf %get3A_23 : vector<512x3072xf32> to vector<512x3072xbf16>
      %dot_general3A = arith.constant dense<0.000000e+00> : vector<32x3072xf32>
      %dot_general3A_25 = tpu.matmul %convert_element_type3A_20, %convert_element_type3A_24, %dot_general3A {dimension_numbers = #tpu.dot_dimension_numbers<[1], [0], [0], [1], [0, 0, 1, 1], [], []>, transpose_lhs_hint = false} : vector<32x512xbf16>, vector<512x3072xbf16>, vector<32x3072xf32> -> vector<32x3072xf32>
      %add3A = arith.addf %get3A_16, %dot_general3A_25 : vector<32x3072xf32>
      %swap3A = arith.constant 0 : index
      %swap3A_26 = arith.constant 0 : index
      %swap3A_27 = vector.load %arg7[%swap3A, %swap3A_26] : memref<32x3072xf32, #tpu.memory_space<vmem>>, vector<32x3072xf32>
      tpu.vector_store %arg7[%swap3A, %swap3A_26], %add3A {strides = array<i32>} : memref<32x3072xf32, #tpu.memory_space<vmem>>, vector<32x3072xf32>,
    } else {
    }
    %eq3A_10 = arith.constant 13 : i32
    %eq3A_11 = arith.cmpi eq, %arg1, %eq3A_10 : i32
    %convert_element_type3A_12 = arith.extui %eq3A_11 : i1 to i32
    %cond3A_13 = arith.constant 0 : i32
    %cond3A_14 = arith.cmpi ne, %convert_element_type3A_12, %cond3A_13 : i32
    scf.if %cond3A_14 {
      %get3A = arith.constant 0 : index
      %get3A_15 = arith.constant 0 : index
      %get3A_16 = vector.load %arg7[%get3A, %get3A_15] : memref<32x3072xf32, #tpu.memory_space<vmem>>, vector<32x3072xf32>
      %get3A_17 = arith.constant 0 : index
      %get3A_18 = arith.constant 0 : index
      %get3A_19 = vector.load %arg5[%get3A_17, %get3A_18] : memref<1x3072xf32, #tpu.memory_space<vmem>>, vector<1x3072xf32>
      %add3A = vector.broadcast %get3A_19 : vector<1x3072xf32> to vector<32x3072xf32>
      %add3A_20 = arith.addf %get3A_16, %add3A : vector<32x3072xf32>
      %max3A = arith.constant 0.000000e+00 : f32
      %max3A_21 = vector.broadcast %max3A : f32 to vector<32x3072xf32>
      %max3A_22 = arith.maximumf %add3A_20, %max3A_21 : vector<32x3072xf32>
      %swap3A = arith.constant 0 : index
      %swap3A_23 = arith.constant 0 : index
      %swap3A_24 = vector.load %arg6[%swap3A, %swap3A_23] : memref<32x3072xf32, #tpu.memory_space<vmem>>, vector<32x3072xf32>
      tpu.vector_store %arg6[%swap3A, %swap3A_23], %max3A_22 {strides = array<i32>} : memref<32x3072xf32, #tpu.memory_space<vmem>>, vector<32x3072xf32>,
    } else {
    }
    return
  }
  func.func @transform_0(%arg0: i32, %arg1: i32) -> (i32, i32) {
    %lt3A = arith.constant 12 : i32
    %lt3A_0 = arith.cmpi slt, %arg1, %lt3A : i32
    %add3A = arith.constant 4 : i32
    %add3A_1 = arith.addi %arg1, %add3A : i32
    %jit3A = arith.constant 4 : i32
    %select_n3A = arith.select %lt3A_0, %add3A_1, %jit3A : i32
    %c0_i32 = arith.constant 0 : i32
    %c0_i32_2 = arith.constant 0 : i32
    return %c0_i32, %select_n3A : i32, i32
  }
  func.func @transform_1(%arg0: i32, %arg1: i32) -> (i32, i32) {
    %lt3A = arith.constant 12 : i32
    %lt3A_0 = arith.cmpi slt, %arg1, %lt3A : i32
    %sub3A = arith.constant 12 : i32
    %sub3A_1 = arith.subi %arg1, %sub3A : i32
    %jit3A = arith.constant 0 : i32
    %select_n3A = arith.select %lt3A_0, %jit3A, %sub3A_1 : i32
    %c0_i32 = arith.constant 0 : i32
    %c0_i32_2 = arith.constant 0 : i32
    return %c0_i32, %select_n3A : i32, i32
  }
  func.func @transform_2(%arg0: i32, %arg1: i32) -> (i32, i32) {
    %c0_i32 = arith.constant 0 : i32
    return %arg1, %arg0 : i32, i32
  }
  func.func @transform_3(%arg0: i32, %arg1: i32) -> (i32, i32) {
    %c0_i32 = arith.constant 0 : i32
    %c0_i32_0 = arith.constant 0 : i32
    return %c0_i32, %arg0 : i32, i32
  }
  func.func @transform_4(%arg0: i32, %arg1: i32) -> (i32, i32) {
    %c0_i32 = arith.constant 0 : i32
    %c0_i32_0 = arith.constant 0 : i32
    return %c0_i32, %arg0 : i32, i32
  }
}

module attributes {stable_mosaic.version = 14 : i64} {
  func.func @_heads_parta_kernel(%arg0: i32, %arg1: i32, %arg2: memref<32x1024xf32, #tpu.memory_space<vmem>>, %arg3: memref<32x1024xf32, #tpu.memory_space<vmem>>, %arg4: memref<1024x1024xf32, #tpu.memory_space<vmem>>, %arg5: memref<1024x1024xf32, #tpu.memory_space<vmem>>, %arg6: memref<32x1024xf32, #tpu.memory_space<vmem>>, %arg7: memref<32x1024xf32, #tpu.memory_space<vmem>>, %arg8: memref<32x1024xf32, #tpu.memory_space<vmem>>, %arg9: memref<32x1024xf32, #tpu.memory_space<vmem>>) attributes {dimension_semantics = [#tpu.dimension_semantics<parallel>, #tpu.dimension_semantics<arbitrary>], iteration_bounds = array<i64: 2, 3>, scalar_prefetch = 0 : i64, scratch_operands = 2 : i64, tpu.core_type = #tpu.core_type<tc>, window_params = [{transform_indices = @transform_0, window_bounds = array<i64: 32, 1024>}, {pipeline_mode = #tpu.pipeline_mode<synchronous>, transform_indices = @transform_1, window_bounds = array<i64: 32, 1024>}, {transform_indices = @transform_2, window_bounds = array<i64: 1024, 1024>}, {transform_indices = @transform_3, window_bounds = array<i64: 1024, 1024>}, {transform_indices = @transform_4, window_bounds = array<i64: 32, 1024>}, {transform_indices = @transform_5, window_bounds = array<i64: 32, 1024>}]} {
    %eq3A = arith.constant 0 : i32
    %eq3A_0 = arith.cmpi eq, %arg1, %eq3A : i32
    %convert_element_type3A = arith.extui %eq3A_0 : i1 to i32
    %cond3A = arith.constant 0 : i32
    %cond3A_1 = arith.cmpi ne, %convert_element_type3A, %cond3A : i32
    scf.if %cond3A_1 {
      %broadcast_in_dim3A = arith.constant 0.000000e+00 : f32
      %broadcast_in_dim3A_11 = vector.broadcast %broadcast_in_dim3A : f32 to vector<32x1024xf32>
      %swap3A = arith.constant 0 : index
      %swap3A_12 = arith.constant 0 : index
      %swap3A_13 = vector.load %arg8[%swap3A, %swap3A_12] : memref<32x1024xf32, #tpu.memory_space<vmem>>, vector<32x1024xf32>
      tpu.vector_store %arg8[%swap3A, %swap3A_12], %broadcast_in_dim3A_11 {strides = array<i32>} : memref<32x1024xf32, #tpu.memory_space<vmem>>, vector<32x1024xf32>,
      %broadcast_in_dim3A_14 = arith.constant 0.000000e+00 : f32
      %broadcast_in_dim3A_15 = vector.broadcast %broadcast_in_dim3A_14 : f32 to vector<32x1024xf32>
      %swap3A_16 = arith.constant 0 : index
      %swap3A_17 = arith.constant 0 : index
      %swap3A_18 = vector.load %arg9[%swap3A_16, %swap3A_17] : memref<32x1024xf32, #tpu.memory_space<vmem>>, vector<32x1024xf32>
      tpu.vector_store %arg9[%swap3A_16, %swap3A_17], %broadcast_in_dim3A_15 {strides = array<i32>} : memref<32x1024xf32, #tpu.memory_space<vmem>>, vector<32x1024xf32>,
    } else {
    }
    %lt3A = arith.constant 2 : i32
    %lt3A_2 = arith.cmpi slt, %arg1, %lt3A : i32
    %convert_element_type3A_3 = arith.extui %lt3A_2 : i1 to i32
    %cond3A_4 = arith.constant 0 : i32
    %cond3A_5 = arith.cmpi ne, %convert_element_type3A_3, %cond3A_4 : i32
    scf.if %cond3A_5 {
      %get3A = arith.constant 0 : index
      %get3A_11 = arith.constant 0 : index
      %get3A_12 = vector.load %arg2[%get3A, %get3A_11] : memref<32x1024xf32, #tpu.memory_space<vmem>>, vector<32x1024xf32>
      %convert_element_type3A_13 = arith.truncf %get3A_12 : vector<32x1024xf32> to vector<32x1024xbf16>
      %get3A_14 = arith.constant 0 : index
      %get3A_15 = arith.constant 0 : index
      %get3A_16 = vector.load %arg8[%get3A_14, %get3A_15] : memref<32x1024xf32, #tpu.memory_space<vmem>>, vector<32x1024xf32>
      %get3A_17 = arith.constant 0 : index
      %get3A_18 = arith.constant 0 : index
      %get3A_19 = vector.load %arg4[%get3A_17, %get3A_18] : memref<1024x1024xf32, #tpu.memory_space<vmem>>, vector<1024x1024xf32>
      %convert_element_type3A_20 = arith.truncf %get3A_19 : vector<1024x1024xf32> to vector<1024x1024xbf16>
      %dot_general3A = arith.constant dense<0.000000e+00> : vector<32x1024xf32>
      %dot_general3A_21 = tpu.matmul %convert_element_type3A_13, %convert_element_type3A_20, %dot_general3A {dimension_numbers = #tpu.dot_dimension_numbers<[1], [0], [0], [1], [0, 0, 1, 1], [], []>, transpose_lhs_hint = false} : vector<32x1024xbf16>, vector<1024x1024xbf16>, vector<32x1024xf32> -> vector<32x1024xf32>
      %add3A = arith.addf %get3A_16, %dot_general3A_21 : vector<32x1024xf32>
      %swap3A = arith.constant 0 : index
      %swap3A_22 = arith.constant 0 : index
      %swap3A_23 = vector.load %arg8[%swap3A, %swap3A_22] : memref<32x1024xf32, #tpu.memory_space<vmem>>, vector<32x1024xf32>
      tpu.vector_store %arg8[%swap3A, %swap3A_22], %add3A {strides = array<i32>} : memref<32x1024xf32, #tpu.memory_space<vmem>>, vector<32x1024xf32>,
      %get3A_24 = arith.constant 0 : index
      %get3A_25 = arith.constant 0 : index
      %get3A_26 = vector.load %arg9[%get3A_24, %get3A_25] : memref<32x1024xf32, #tpu.memory_space<vmem>>, vector<32x1024xf32>
      %get3A_27 = arith.constant 0 : index
      %get3A_28 = arith.constant 0 : index
      %get3A_29 = vector.load %arg5[%get3A_27, %get3A_28] : memref<1024x1024xf32, #tpu.memory_space<vmem>>, vector<1024x1024xf32>
      %convert_element_type3A_30 = arith.truncf %get3A_29 : vector<1024x1024xf32> to vector<1024x1024xbf16>
      %dot_general3A_31 = arith.constant dense<0.000000e+00> : vector<32x1024xf32>
      %dot_general3A_32 = tpu.matmul %convert_element_type3A_13, %convert_element_type3A_30, %dot_general3A_31 {dimension_numbers = #tpu.dot_dimension_numbers<[1], [0], [0], [1], [0, 0, 1, 1], [], []>, transpose_lhs_hint = false} : vector<32x1024xbf16>, vector<1024x1024xbf16>, vector<32x1024xf32> -> vector<32x1024xf32>
      %add3A_33 = arith.addf %get3A_26, %dot_general3A_32 : vector<32x1024xf32>
      %swap3A_34 = arith.constant 0 : index
      %swap3A_35 = arith.constant 0 : index
      %swap3A_36 = vector.load %arg9[%swap3A_34, %swap3A_35] : memref<32x1024xf32, #tpu.memory_space<vmem>>, vector<32x1024xf32>
      tpu.vector_store %arg9[%swap3A_34, %swap3A_35], %add3A_33 {strides = array<i32>} : memref<32x1024xf32, #tpu.memory_space<vmem>>, vector<32x1024xf32>,
    } else {
    }
    %eq3A_6 = arith.constant 2 : i32
    %eq3A_7 = arith.cmpi eq, %arg1, %eq3A_6 : i32
    %convert_element_type3A_8 = arith.extui %eq3A_7 : i1 to i32
    %cond3A_9 = arith.constant 0 : i32
    %cond3A_10 = arith.cmpi ne, %convert_element_type3A_8, %cond3A_9 : i32
    scf.if %cond3A_10 {
      %get3A = arith.constant 0 : index
      %get3A_11 = arith.constant 0 : index
      %get3A_12 = vector.load %arg3[%get3A, %get3A_11] : memref<32x1024xf32, #tpu.memory_space<vmem>>, vector<32x1024xf32>
      %convert_element_type3A_13 = arith.truncf %get3A_12 : vector<32x1024xf32> to vector<32x1024xbf16>
      %get3A_14 = arith.constant 0 : index
      %get3A_15 = arith.constant 0 : index
      %get3A_16 = vector.load %arg8[%get3A_14, %get3A_15] : memref<32x1024xf32, #tpu.memory_space<vmem>>, vector<32x1024xf32>
      %get3A_17 = arith.constant 0 : index
      %get3A_18 = arith.constant 0 : index
      %get3A_19 = vector.load %arg4[%get3A_17, %get3A_18] : memref<1024x1024xf32, #tpu.memory_space<vmem>>, vector<1024x1024xf32>
      %convert_element_type3A_20 = arith.truncf %get3A_19 : vector<1024x1024xf32> to vector<1024x1024xbf16>
      %dot_general3A = arith.constant dense<0.000000e+00> : vector<32x1024xf32>
      %dot_general3A_21 = tpu.matmul %convert_element_type3A_13, %convert_element_type3A_20, %dot_general3A {dimension_numbers = #tpu.dot_dimension_numbers<[1], [0], [0], [1], [0, 0, 1, 1], [], []>, transpose_lhs_hint = false} : vector<32x1024xbf16>, vector<1024x1024xbf16>, vector<32x1024xf32> -> vector<32x1024xf32>
      %add3A = arith.addf %get3A_16, %dot_general3A_21 : vector<32x1024xf32>
      %swap3A = arith.constant 0 : index
      %swap3A_22 = arith.constant 0 : index
      %swap3A_23 = vector.load %arg8[%swap3A, %swap3A_22] : memref<32x1024xf32, #tpu.memory_space<vmem>>, vector<32x1024xf32>
      tpu.vector_store %arg8[%swap3A, %swap3A_22], %add3A {strides = array<i32>} : memref<32x1024xf32, #tpu.memory_space<vmem>>, vector<32x1024xf32>,
      %get3A_24 = arith.constant 0 : index
      %get3A_25 = arith.constant 0 : index
      %get3A_26 = vector.load %arg9[%get3A_24, %get3A_25] : memref<32x1024xf32, #tpu.memory_space<vmem>>, vector<32x1024xf32>
      %get3A_27 = arith.constant 0 : index
      %get3A_28 = arith.constant 0 : index
      %get3A_29 = vector.load %arg5[%get3A_27, %get3A_28] : memref<1024x1024xf32, #tpu.memory_space<vmem>>, vector<1024x1024xf32>
      %convert_element_type3A_30 = arith.truncf %get3A_29 : vector<1024x1024xf32> to vector<1024x1024xbf16>
      %dot_general3A_31 = arith.constant dense<0.000000e+00> : vector<32x1024xf32>
      %dot_general3A_32 = tpu.matmul %convert_element_type3A_13, %convert_element_type3A_30, %dot_general3A_31 {dimension_numbers = #tpu.dot_dimension_numbers<[1], [0], [0], [1], [0, 0, 1, 1], [], []>, transpose_lhs_hint = false} : vector<32x1024xbf16>, vector<1024x1024xbf16>, vector<32x1024xf32> -> vector<32x1024xf32>
      %add3A_33 = arith.addf %get3A_26, %dot_general3A_32 : vector<32x1024xf32>
      %swap3A_34 = arith.constant 0 : index
      %swap3A_35 = arith.constant 0 : index
      %swap3A_36 = vector.load %arg9[%swap3A_34, %swap3A_35] : memref<32x1024xf32, #tpu.memory_space<vmem>>, vector<32x1024xf32>
      tpu.vector_store %arg9[%swap3A_34, %swap3A_35], %add3A_33 {strides = array<i32>} : memref<32x1024xf32, #tpu.memory_space<vmem>>, vector<32x1024xf32>,
      %get3A_37 = arith.constant 0 : index
      %get3A_38 = arith.constant 0 : index
      %get3A_39 = vector.load %arg8[%get3A_37, %get3A_38] : memref<32x1024xf32, #tpu.memory_space<vmem>>, vector<32x1024xf32>
      %swap3A_40 = arith.constant 0 : index
      %swap3A_41 = arith.constant 0 : index
      %swap3A_42 = vector.load %arg6[%swap3A_40, %swap3A_41] : memref<32x1024xf32, #tpu.memory_space<vmem>>, vector<32x1024xf32>
      tpu.vector_store %arg6[%swap3A_40, %swap3A_41], %get3A_39 {strides = array<i32>} : memref<32x1024xf32, #tpu.memory_space<vmem>>, vector<32x1024xf32>,
      %get3A_43 = arith.constant 0 : index
      %get3A_44 = arith.constant 0 : index
      %get3A_45 = vector.load %arg9[%get3A_43, %get3A_44] : memref<32x1024xf32, #tpu.memory_space<vmem>>, vector<32x1024xf32>
      %swap3A_46 = arith.constant 0 : index
      %swap3A_47 = arith.constant 0 : index
      %swap3A_48 = vector.load %arg7[%swap3A_46, %swap3A_47] : memref<32x1024xf32, #tpu.memory_space<vmem>>, vector<32x1024xf32>
      tpu.vector_store %arg7[%swap3A_46, %swap3A_47], %get3A_45 {strides = array<i32>} : memref<32x1024xf32, #tpu.memory_space<vmem>>, vector<32x1024xf32>,
    } else {
    }
    return
  }
  func.func @transform_0(%arg0: i32, %arg1: i32) -> (i32, i32) {
    %lt3A = arith.constant 2 : i32
    %lt3A_0 = arith.cmpi slt, %arg1, %lt3A : i32
    %jit3A = arith.constant 0 : i32
    %select_n3A = arith.select %lt3A_0, %arg1, %jit3A : i32
    %c0_i32 = arith.constant 0 : i32
    %c0_i32_1 = arith.constant 0 : i32
    return %c0_i32, %select_n3A : i32, i32
  }
  func.func @transform_1(%arg0: i32, %arg1: i32) -> (i32, i32) {
    %c0_i32 = arith.constant 0 : i32
    %c0_i32_0 = arith.constant 0 : i32
    %c0_i32_1 = arith.constant 0 : i32
    return %c0_i32, %c0_i32_0 : i32, i32
  }
  func.func @transform_2(%arg0: i32, %arg1: i32) -> (i32, i32) {
    %lt3A = arith.constant 2 : i32
    %lt3A_0 = arith.cmpi slt, %arg1, %lt3A : i32
    %add3A = arith.constant 2 : i32
    %add3A_1 = arith.addi %arg1, %add3A : i32
    %select_n3A = arith.select %lt3A_0, %arg1, %add3A_1 : i32
    %c0_i32 = arith.constant 0 : i32
    return %select_n3A, %arg0 : i32, i32
  }
  func.func @transform_3(%arg0: i32, %arg1: i32) -> (i32, i32) {
    %lt3A = arith.constant 2 : i32
    %lt3A_0 = arith.cmpi slt, %arg1, %lt3A : i32
    %add3A = arith.constant 2 : i32
    %add3A_1 = arith.addi %arg1, %add3A : i32
    %select_n3A = arith.select %lt3A_0, %arg1, %add3A_1 : i32
    %c0_i32 = arith.constant 0 : i32
    return %select_n3A, %arg0 : i32, i32
  }
  func.func @transform_4(%arg0: i32, %arg1: i32) -> (i32, i32) {
    %c0_i32 = arith.constant 0 : i32
    %c0_i32_0 = arith.constant 0 : i32
    return %c0_i32, %arg0 : i32, i32
  }
  func.func @transform_5(%arg0: i32, %arg1: i32) -> (i32, i32) {
    %c0_i32 = arith.constant 0 : i32
    %c0_i32_0 = arith.constant 0 : i32
    return %c0_i32, %arg0 : i32, i32
  }
}

module attributes {stable_mosaic.version = 14 : i64} {
  func.func @_mm_extra_kernel(%arg0: i32, %arg1: i32, %arg2: memref<32x512xf32, #tpu.memory_space<vmem>>, %arg3: memref<512x3072xf32, #tpu.memory_space<vmem>>, %arg4: memref<1x3072xf32, #tpu.memory_space<vmem>>, %arg5: memref<32x3072xf32, #tpu.memory_space<vmem>>, %arg6: memref<32x3072xf32, #tpu.memory_space<vmem>>, %arg7: memref<32x3072xf32, #tpu.memory_space<vmem>>) attributes {dimension_semantics = [#tpu.dimension_semantics<parallel>, #tpu.dimension_semantics<arbitrary>], iteration_bounds = array<i64: 2, 6>, scalar_prefetch = 0 : i64, scratch_operands = 1 : i64, tpu.core_type = #tpu.core_type<tc>, window_params = [{transform_indices = @transform_0, window_bounds = array<i64: 32, 512>}, {transform_indices = @transform_1, window_bounds = array<i64: 512, 3072>}, {transform_indices = @transform_2, window_bounds = array<i64: 1, 3072>}, {transform_indices = @transform_3, window_bounds = array<i64: 32, 3072>}, {transform_indices = @transform_4, window_bounds = array<i64: 32, 3072>}]} {
    %eq3A = arith.constant 0 : i32
    %eq3A_0 = arith.cmpi eq, %arg1, %eq3A : i32
    %convert_element_type3A = arith.extui %eq3A_0 : i1 to i32
    %cond3A = arith.constant 0 : i32
    %cond3A_1 = arith.cmpi ne, %convert_element_type3A, %cond3A : i32
    scf.if %cond3A_1 {
      %broadcast_in_dim3A = arith.constant 0.000000e+00 : f32
      %broadcast_in_dim3A_20 = vector.broadcast %broadcast_in_dim3A : f32 to vector<32x3072xf32>
      %swap3A_21 = arith.constant 0 : index
      %swap3A_22 = arith.constant 0 : index
      %swap3A_23 = vector.load %arg7[%swap3A_21, %swap3A_22] : memref<32x3072xf32, #tpu.memory_space<vmem>>, vector<32x3072xf32>
      tpu.vector_store %arg7[%swap3A_21, %swap3A_22], %broadcast_in_dim3A_20 {strides = array<i32>} : memref<32x3072xf32, #tpu.memory_space<vmem>>, vector<32x3072xf32>,
    } else {
    }
    %get3A = arith.constant 0 : index
    %get3A_2 = arith.constant 0 : index
    %get3A_3 = vector.load %arg7[%get3A, %get3A_2] : memref<32x3072xf32, #tpu.memory_space<vmem>>, vector<32x3072xf32>
    %get3A_4 = arith.constant 0 : index
    %get3A_5 = arith.constant 0 : index
    %get3A_6 = vector.load %arg2[%get3A_4, %get3A_5] : memref<32x512xf32, #tpu.memory_space<vmem>>, vector<32x512xf32>
    %convert_element_type3A_7 = arith.truncf %get3A_6 : vector<32x512xf32> to vector<32x512xbf16>
    %get3A_8 = arith.constant 0 : index
    %get3A_9 = arith.constant 0 : index
    %get3A_10 = vector.load %arg3[%get3A_8, %get3A_9] : memref<512x3072xf32, #tpu.memory_space<vmem>>, vector<512x3072xf32>
    %convert_element_type3A_11 = arith.truncf %get3A_10 : vector<512x3072xf32> to vector<512x3072xbf16>
    %dot_general3A = arith.constant dense<0.000000e+00> : vector<32x3072xf32>
    %dot_general3A_12 = tpu.matmul %convert_element_type3A_7, %convert_element_type3A_11, %dot_general3A {dimension_numbers = #tpu.dot_dimension_numbers<[1], [0], [0], [1], [0, 0, 1, 1], [], []>, transpose_lhs_hint = false} : vector<32x512xbf16>, vector<512x3072xbf16>, vector<32x3072xf32> -> vector<32x3072xf32>
    %add3A = arith.addf %get3A_3, %dot_general3A_12 : vector<32x3072xf32>
    %swap3A = arith.constant 0 : index
    %swap3A_13 = arith.constant 0 : index
    %swap3A_14 = vector.load %arg7[%swap3A, %swap3A_13] : memref<32x3072xf32, #tpu.memory_space<vmem>>, vector<32x3072xf32>
    tpu.vector_store %arg7[%swap3A, %swap3A_13], %add3A {strides = array<i32>} : memref<32x3072xf32, #tpu.memory_space<vmem>>, vector<32x3072xf32>,
    %eq3A_15 = arith.constant 5 : i32
    %eq3A_16 = arith.cmpi eq, %arg1, %eq3A_15 : i32
    %convert_element_type3A_17 = arith.extui %eq3A_16 : i1 to i32
    %cond3A_18 = arith.constant 0 : i32
    %cond3A_19 = arith.cmpi ne, %convert_element_type3A_17, %cond3A_18 : i32
    scf.if %cond3A_19 {
      %get3A_20 = arith.constant 0 : index
      %get3A_21 = arith.constant 0 : index
      %get3A_22 = vector.load %arg7[%get3A_20, %get3A_21] : memref<32x3072xf32, #tpu.memory_space<vmem>>, vector<32x3072xf32>
      %get3A_23 = arith.constant 0 : index
      %get3A_24 = arith.constant 0 : index
      %get3A_25 = vector.load %arg4[%get3A_23, %get3A_24] : memref<1x3072xf32, #tpu.memory_space<vmem>>, vector<1x3072xf32>
      %add3A_26 = vector.broadcast %get3A_25 : vector<1x3072xf32> to vector<32x3072xf32>
      %add3A_27 = arith.addf %get3A_22, %add3A_26 : vector<32x3072xf32>
      %get3A_28 = arith.constant 0 : index
      %get3A_29 = arith.constant 0 : index
      %get3A_30 = vector.load %arg5[%get3A_28, %get3A_29] : memref<32x3072xf32, #tpu.memory_space<vmem>>, vector<32x3072xf32>
      %add3A_31 = arith.addf %add3A_27, %get3A_30 : vector<32x3072xf32>
      %swap3A_32 = arith.constant 0 : index
      %swap3A_33 = arith.constant 0 : index
      %swap3A_34 = vector.load %arg6[%swap3A_32, %swap3A_33] : memref<32x3072xf32, #tpu.memory_space<vmem>>, vector<32x3072xf32>
      tpu.vector_store %arg6[%swap3A_32, %swap3A_33], %add3A_31 {strides = array<i32>} : memref<32x3072xf32, #tpu.memory_space<vmem>>, vector<32x3072xf32>,
    } else {
    }
    return
  }
  func.func @transform_0(%arg0: i32, %arg1: i32) -> (i32, i32) {
    %c0_i32 = arith.constant 0 : i32
    %c0_i32_0 = arith.constant 0 : i32
    return %c0_i32, %arg1 : i32, i32
  }
  func.func @transform_1(%arg0: i32, %arg1: i32) -> (i32, i32) {
    %c0_i32 = arith.constant 0 : i32
    return %arg1, %arg0 : i32, i32
  }
  func.func @transform_2(%arg0: i32, %arg1: i32) -> (i32, i32) {
    %c0_i32 = arith.constant 0 : i32
    %c0_i32_0 = arith.constant 0 : i32
    return %c0_i32, %arg0 : i32, i32
  }
  func.func @transform_3(%arg0: i32, %arg1: i32) -> (i32, i32) {
    %c0_i32 = arith.constant 0 : i32
    %c0_i32_0 = arith.constant 0 : i32
    return %c0_i32, %arg0 : i32, i32
  }
  func.func @transform_4(%arg0: i32, %arg1: i32) -> (i32, i32) {
    %c0_i32 = arith.constant 0 : i32
    %c0_i32_0 = arith.constant 0 : i32
    return %c0_i32, %arg0 : i32, i32
  }
}

module attributes {stable_mosaic.version = 14 : i64} {
  func.func @_heads_partb_kernel(%arg0: i32, %arg1: i32, %arg2: memref<32x1024xf32, #tpu.memory_space<vmem>>, %arg3: memref<1024x1024xf32, #tpu.memory_space<vmem>>, %arg4: memref<1024x1024xf32, #tpu.memory_space<vmem>>, %arg5: memref<1x1024xf32, #tpu.memory_space<vmem>>, %arg6: memref<1x1024xf32, #tpu.memory_space<vmem>>, %arg7: memref<32x1024xf32, #tpu.memory_space<vmem>>, %arg8: memref<32x1024xf32, #tpu.memory_space<vmem>>, %arg9: memref<32x1024xf32, #tpu.memory_space<vmem>>, %arg10: memref<32x1024xf32, #tpu.memory_space<vmem>>, %arg11: memref<32x1024xf32, #tpu.memory_space<vmem>>, %arg12: memref<32x1024xf32, #tpu.memory_space<vmem>>) attributes {dimension_semantics = [#tpu.dimension_semantics<parallel>, #tpu.dimension_semantics<arbitrary>], iteration_bounds = array<i64: 2, 2>, scalar_prefetch = 0 : i64, scratch_operands = 2 : i64, tpu.core_type = #tpu.core_type<tc>, window_params = [{transform_indices = @transform_0, window_bounds = array<i64: 32, 1024>}, {transform_indices = @transform_1, window_bounds = array<i64: 1024, 1024>}, {transform_indices = @transform_2, window_bounds = array<i64: 1024, 1024>}, {transform_indices = @transform_3, window_bounds = array<i64: 1, 1024>}, {transform_indices = @transform_4, window_bounds = array<i64: 1, 1024>}, {transform_indices = @transform_5, window_bounds = array<i64: 32, 1024>}, {transform_indices = @transform_6, window_bounds = array<i64: 32, 1024>}, {transform_indices = @transform_7, window_bounds = array<i64: 32, 1024>}, {transform_indices = @transform_8, window_bounds = array<i64: 32, 1024>}]} {
    %eq3A = arith.constant 0 : i32
    %eq3A_0 = arith.cmpi eq, %arg1, %eq3A : i32
    %convert_element_type3A = arith.extui %eq3A_0 : i1 to i32
    %cond3A = arith.constant 0 : i32
    %cond3A_1 = arith.cmpi ne, %convert_element_type3A, %cond3A : i32
    scf.if %cond3A_1 {
      %get3A_33 = arith.constant 0 : index
      %get3A_34 = arith.constant 0 : index
      %get3A_35 = vector.load %arg7[%get3A_33, %get3A_34] : memref<32x1024xf32, #tpu.memory_space<vmem>>, vector<32x1024xf32>
      %swap3A_36 = arith.constant 0 : index
      %swap3A_37 = arith.constant 0 : index
      %swap3A_38 = vector.load %arg11[%swap3A_36, %swap3A_37] : memref<32x1024xf32, #tpu.memory_space<vmem>>, vector<32x1024xf32>
      tpu.vector_store %arg11[%swap3A_36, %swap3A_37], %get3A_35 {strides = array<i32>} : memref<32x1024xf32, #tpu.memory_space<vmem>>, vector<32x1024xf32>,
      %get3A_39 = arith.constant 0 : index
      %get3A_40 = arith.constant 0 : index
      %get3A_41 = vector.load %arg8[%get3A_39, %get3A_40] : memref<32x1024xf32, #tpu.memory_space<vmem>>, vector<32x1024xf32>
      %swap3A_42 = arith.constant 0 : index
      %swap3A_43 = arith.constant 0 : index
      %swap3A_44 = vector.load %arg12[%swap3A_42, %swap3A_43] : memref<32x1024xf32, #tpu.memory_space<vmem>>, vector<32x1024xf32>
      tpu.vector_store %arg12[%swap3A_42, %swap3A_43], %get3A_41 {strides = array<i32>} : memref<32x1024xf32, #tpu.memory_space<vmem>>, vector<32x1024xf32>,
    } else {
    }
    %get3A = arith.constant 0 : index
    %get3A_2 = arith.constant 0 : index
    %get3A_3 = vector.load %arg2[%get3A, %get3A_2] : memref<32x1024xf32, #tpu.memory_space<vmem>>, vector<32x1024xf32>
    %convert_element_type3A_4 = arith.truncf %get3A_3 : vector<32x1024xf32> to vector<32x1024xbf16>
    %get3A_5 = arith.constant 0 : index
    %get3A_6 = arith.constant 0 : index
    %get3A_7 = vector.load %arg11[%get3A_5, %get3A_6] : memref<32x1024xf32, #tpu.memory_space<vmem>>, vector<32x1024xf32>
    %get3A_8 = arith.constant 0 : index
    %get3A_9 = arith.constant 0 : index
    %get3A_10 = vector.load %arg3[%get3A_8, %get3A_9] : memref<1024x1024xf32, #tpu.memory_space<vmem>>, vector<1024x1024xf32>
    %convert_element_type3A_11 = arith.truncf %get3A_10 : vector<1024x1024xf32> to vector<1024x1024xbf16>
    %dot_general3A = arith.constant dense<0.000000e+00> : vector<32x1024xf32>
    %dot_general3A_12 = tpu.matmul %convert_element_type3A_4, %convert_element_type3A_11, %dot_general3A {dimension_numbers = #tpu.dot_dimension_numbers<[1], [0], [0], [1], [0, 0, 1, 1], [], []>, transpose_lhs_hint = false} : vector<32x1024xbf16>, vector<1024x1024xbf16>, vector<32x1024xf32> -> vector<32x1024xf32>
    %add3A = arith.addf %get3A_7, %dot_general3A_12 : vector<32x1024xf32>
    %swap3A = arith.constant 0 : index
    %swap3A_13 = arith.constant 0 : index
    %swap3A_14 = vector.load %arg11[%swap3A, %swap3A_13] : memref<32x1024xf32, #tpu.memory_space<vmem>>, vector<32x1024xf32>
    tpu.vector_store %arg11[%swap3A, %swap3A_13], %add3A {strides = array<i32>} : memref<32x1024xf32, #tpu.memory_space<vmem>>, vector<32x1024xf32>,
    %get3A_15 = arith.constant 0 : index
    %get3A_16 = arith.constant 0 : index
    %get3A_17 = vector.load %arg12[%get3A_15, %get3A_16] : memref<32x1024xf32, #tpu.memory_space<vmem>>, vector<32x1024xf32>
    %get3A_18 = arith.constant 0 : index
    %get3A_19 = arith.constant 0 : index
    %get3A_20 = vector.load %arg4[%get3A_18, %get3A_19] : memref<1024x1024xf32, #tpu.memory_space<vmem>>, vector<1024x1024xf32>
    %convert_element_type3A_21 = arith.truncf %get3A_20 : vector<1024x1024xf32> to vector<1024x1024xbf16>
    %dot_general3A_22 = arith.constant dense<0.000000e+00> : vector<32x1024xf32>
    %dot_general3A_23 = tpu.matmul %convert_element_type3A_4, %convert_element_type3A_21, %dot_general3A_22 {dimension_numbers = #tpu.dot_dimension_numbers<[1], [0], [0], [1], [0, 0, 1, 1], [], []>, transpose_lhs_hint = false} : vector<32x1024xbf16>, vector<1024x1024xbf16>, vector<32x1024xf32> -> vector<32x1024xf32>
    %add3A_24 = arith.addf %get3A_17, %dot_general3A_23 : vector<32x1024xf32>
    %swap3A_25 = arith.constant 0 : index
    %swap3A_26 = arith.constant 0 : index
    %swap3A_27 = vector.load %arg12[%swap3A_25, %swap3A_26] : memref<32x1024xf32, #tpu.memory_space<vmem>>, vector<32x1024xf32>
    tpu.vector_store %arg12[%swap3A_25, %swap3A_26], %add3A_24 {strides = array<i32>} : memref<32x1024xf32, #tpu.memory_space<vmem>>, vector<32x1024xf32>,
    %eq3A_28 = arith.constant 1 : i32
    %eq3A_29 = arith.cmpi eq, %arg1, %eq3A_28 : i32
    %convert_element_type3A_30 = arith.extui %eq3A_29 : i1 to i32
    %cond3A_31 = arith.constant 0 : i32
    %cond3A_32 = arith.cmpi ne, %convert_element_type3A_30, %cond3A_31 : i32
    scf.if %cond3A_32 {
      %get3A_33 = arith.constant 0 : index
      %get3A_34 = arith.constant 0 : index
      %get3A_35 = vector.load %arg11[%get3A_33, %get3A_34] : memref<32x1024xf32, #tpu.memory_space<vmem>>, vector<32x1024xf32>
      %get3A_36 = arith.constant 0 : index
      %get3A_37 = arith.constant 0 : index
      %get3A_38 = vector.load %arg5[%get3A_36, %get3A_37] : memref<1x1024xf32, #tpu.memory_space<vmem>>, vector<1x1024xf32>
      %add3A_39 = vector.broadcast %get3A_38 : vector<1x1024xf32> to vector<32x1024xf32>
      %add3A_40 = arith.addf %get3A_35, %add3A_39 : vector<32x1024xf32>
      %max3A = arith.constant 0.000000e+00 : f32
      %max3A_41 = vector.broadcast %max3A : f32 to vector<32x1024xf32>
      %max3A_42 = arith.maximumf %add3A_40, %max3A_41 : vector<32x1024xf32>
      %swap3A_43 = arith.constant 0 : index
      %swap3A_44 = arith.constant 0 : index
      %swap3A_45 = vector.load %arg9[%swap3A_43, %swap3A_44] : memref<32x1024xf32, #tpu.memory_space<vmem>>, vector<32x1024xf32>
      tpu.vector_store %arg9[%swap3A_43, %swap3A_44], %max3A_42 {strides = array<i32>} : memref<32x1024xf32, #tpu.memory_space<vmem>>, vector<32x1024xf32>,
      %get3A_46 = arith.constant 0 : index
      %get3A_47 = arith.constant 0 : index
      %get3A_48 = vector.load %arg12[%get3A_46, %get3A_47] : memref<32x1024xf32, #tpu.memory_space<vmem>>, vector<32x1024xf32>
      %get3A_49 = arith.constant 0 : index
      %get3A_50 = arith.constant 0 : index
      %get3A_51 = vector.load %arg6[%get3A_49, %get3A_50] : memref<1x1024xf32, #tpu.memory_space<vmem>>, vector<1x1024xf32>
      %add3A_52 = vector.broadcast %get3A_51 : vector<1x1024xf32> to vector<32x1024xf32>
      %add3A_53 = arith.addf %get3A_48, %add3A_52 : vector<32x1024xf32>
      %max3A_54 = arith.constant 0.000000e+00 : f32
      %max3A_55 = vector.broadcast %max3A_54 : f32 to vector<32x1024xf32>
      %max3A_56 = arith.maximumf %add3A_53, %max3A_55 : vector<32x1024xf32>
      %swap3A_57 = arith.constant 0 : index
      %swap3A_58 = arith.constant 0 : index
      %swap3A_59 = vector.load %arg10[%swap3A_57, %swap3A_58] : memref<32x1024xf32, #tpu.memory_space<vmem>>, vector<32x1024xf32>
      tpu.vector_store %arg10[%swap3A_57, %swap3A_58], %max3A_56 {strides = array<i32>} : memref<32x1024xf32, #tpu.memory_space<vmem>>, vector<32x1024xf32>,
    } else {
    }
    return
  }
  func.func @transform_0(%arg0: i32, %arg1: i32) -> (i32, i32) {
    %c0_i32 = arith.constant 0 : i32
    %c0_i32_0 = arith.constant 0 : i32
    return %c0_i32, %arg1 : i32, i32
  }
  func.func @transform_1(%arg0: i32, %arg1: i32) -> (i32, i32) {
    %add3A = arith.constant 2 : i32
    %add3A_0 = arith.addi %arg1, %add3A : i32
    %c0_i32 = arith.constant 0 : i32
    return %add3A_0, %arg0 : i32, i32
  }
  func.func @transform_2(%arg0: i32, %arg1: i32) -> (i32, i32) {
    %add3A = arith.constant 2 : i32
    %add3A_0 = arith.addi %arg1, %add3A : i32
    %c0_i32 = arith.constant 0 : i32
    return %add3A_0, %arg0 : i32, i32
  }
  func.func @transform_3(%arg0: i32, %arg1: i32) -> (i32, i32) {
    %c0_i32 = arith.constant 0 : i32
    %c0_i32_0 = arith.constant 0 : i32
    return %c0_i32, %arg0 : i32, i32
  }
  func.func @transform_4(%arg0: i32, %arg1: i32) -> (i32, i32) {
    %c0_i32 = arith.constant 0 : i32
    %c0_i32_0 = arith.constant 0 : i32
    return %c0_i32, %arg0 : i32, i32
  }
  func.func @transform_5(%arg0: i32, %arg1: i32) -> (i32, i32) {
    %c0_i32 = arith.constant 0 : i32
    %c0_i32_0 = arith.constant 0 : i32
    return %c0_i32, %arg0 : i32, i32
  }
  func.func @transform_6(%arg0: i32, %arg1: i32) -> (i32, i32) {
    %c0_i32 = arith.constant 0 : i32
    %c0_i32_0 = arith.constant 0 : i32
    return %c0_i32, %arg0 : i32, i32
  }
  func.func @transform_7(%arg0: i32, %arg1: i32) -> (i32, i32) {
    %c0_i32 = arith.constant 0 : i32
    %c0_i32_0 = arith.constant 0 : i32
    return %c0_i32, %arg0 : i32, i32
  }
  func.func @transform_8(%arg0: i32, %arg1: i32) -> (i32, i32) {
    %c0_i32 = arith.constant 0 : i32
    %c0_i32_0 = arith.constant 0 : i32
    return %c0_i32, %arg0 : i32, i32
  }
}

module attributes {stable_mosaic.version = 14 : i64} {
  func.func @_l2_kernel(%arg0: i32, %arg1: i32, %arg2: memref<32x1024xf32, #tpu.memory_space<vmem>>, %arg3: memref<1x1024xf32, #tpu.memory_space<vmem>>, %arg4: memref<32x1024xf32, #tpu.memory_space<vmem>>, %arg5: memref<1024x1024xf32, #tpu.memory_space<vmem>>, %arg6: memref<1x1024xf32, #tpu.memory_space<vmem>>, %arg7: memref<1x128xf32, #tpu.memory_space<vmem>>, %arg8: memref<32x128xf32, #tpu.memory_space<vmem>>, %arg9: memref<32x1024xf32, #tpu.memory_space<vmem>>, %arg10: memref<32x1024xf32, #tpu.memory_space<vmem>>, %arg11: memref<32x1024xf32, #tpu.memory_space<vmem>>) attributes {dimension_semantics = [#tpu.dimension_semantics<parallel>, #tpu.dimension_semantics<arbitrary>], iteration_bounds = array<i64: 1, 2>, scalar_prefetch = 0 : i64, scratch_operands = 2 : i64, tpu.core_type = #tpu.core_type<tc>, window_params = [{transform_indices = @transform_0, window_bounds = array<i64: 32, 1024>}, {transform_indices = @transform_1, window_bounds = array<i64: 1, 1024>}, {transform_indices = @transform_2, window_bounds = array<i64: 32, 1024>}, {transform_indices = @transform_3, window_bounds = array<i64: 1024, 1024>}, {pipeline_mode = #tpu.pipeline_mode<synchronous>, transform_indices = @transform_4, window_bounds = array<i64: 1, 1024>}, {pipeline_mode = #tpu.pipeline_mode<synchronous>, transform_indices = @transform_5, window_bounds = array<i64: 1, 128>}, {pipeline_mode = #tpu.pipeline_mode<synchronous>, transform_indices = @transform_6, window_bounds = array<i64: 32, 128>}, {pipeline_mode = #tpu.pipeline_mode<synchronous>, transform_indices = @transform_7, window_bounds = array<i64: 32, 1024>}]} {
    %eq3A = arith.constant 0 : i32
    %eq3A_0 = arith.cmpi eq, %arg1, %eq3A : i32
    %convert_element_type3A = arith.extui %eq3A_0 : i1 to i32
    %cond3A = arith.constant 0 : i32
    %cond3A_1 = arith.cmpi ne, %convert_element_type3A, %cond3A : i32
    scf.if %cond3A_1 {
      %broadcast_in_dim3A = arith.constant 0.000000e+00 : f32
      %broadcast_in_dim3A_34 = vector.broadcast %broadcast_in_dim3A : f32 to vector<32x1024xf32>
      %swap3A_35 = arith.constant 0 : index
      %swap3A_36 = arith.constant 0 : index
      %swap3A_37 = vector.load %arg10[%swap3A_35, %swap3A_36] : memref<32x1024xf32, #tpu.memory_space<vmem>>, vector<32x1024xf32>
      tpu.vector_store %arg10[%swap3A_35, %swap3A_36], %broadcast_in_dim3A_34 {strides = array<i32>} : memref<32x1024xf32, #tpu.memory_space<vmem>>, vector<32x1024xf32>,
      %broadcast_in_dim3A_38 = arith.constant 0.000000e+00 : f32
      %broadcast_in_dim3A_39 = vector.broadcast %broadcast_in_dim3A_38 : f32 to vector<32x1024xf32>
      %swap3A_40 = arith.constant 0 : index
      %swap3A_41 = arith.constant 0 : index
      %swap3A_42 = vector.load %arg11[%swap3A_40, %swap3A_41] : memref<32x1024xf32, #tpu.memory_space<vmem>>, vector<32x1024xf32>
      tpu.vector_store %arg11[%swap3A_40, %swap3A_41], %broadcast_in_dim3A_39 {strides = array<i32>} : memref<32x1024xf32, #tpu.memory_space<vmem>>, vector<32x1024xf32>,
    } else {
    }
    %get3A = arith.constant 0 : index
    %get3A_2 = arith.constant 0 : index
    %get3A_3 = vector.load %arg10[%get3A, %get3A_2] : memref<32x1024xf32, #tpu.memory_space<vmem>>, vector<32x1024xf32>
    %get3A_4 = arith.constant 0 : index
    %get3A_5 = arith.constant 0 : index
    %get3A_6 = vector.load %arg2[%get3A_4, %get3A_5] : memref<32x1024xf32, #tpu.memory_space<vmem>>, vector<32x1024xf32>
    %get3A_7 = arith.constant 0 : index
    %get3A_8 = arith.constant 0 : index
    %get3A_9 = vector.load %arg3[%get3A_7, %get3A_8] : memref<1x1024xf32, #tpu.memory_space<vmem>>, vector<1x1024xf32>
    %mul3A = vector.broadcast %get3A_9 : vector<1x1024xf32> to vector<32x1024xf32>
    %mul3A_10 = arith.mulf %get3A_6, %mul3A : vector<32x1024xf32>
    %add3A = arith.addf %get3A_3, %mul3A_10 : vector<32x1024xf32>
    %swap3A = arith.constant 0 : index
    %swap3A_11 = arith.constant 0 : index
    %swap3A_12 = vector.load %arg10[%swap3A, %swap3A_11] : memref<32x1024xf32, #tpu.memory_space<vmem>>, vector<32x1024xf32>
    tpu.vector_store %arg10[%swap3A, %swap3A_11], %add3A {strides = array<i32>} : memref<32x1024xf32, #tpu.memory_space<vmem>>, vector<32x1024xf32>,
    %get3A_13 = arith.constant 0 : index
    %get3A_14 = arith.constant 0 : index
    %get3A_15 = vector.load %arg11[%get3A_13, %get3A_14] : memref<32x1024xf32, #tpu.memory_space<vmem>>, vector<32x1024xf32>
    %get3A_16 = arith.constant 0 : index
    %get3A_17 = arith.constant 0 : index
    %get3A_18 = vector.load %arg4[%get3A_16, %get3A_17] : memref<32x1024xf32, #tpu.memory_space<vmem>>, vector<32x1024xf32>
    %convert_element_type3A_19 = arith.truncf %get3A_18 : vector<32x1024xf32> to vector<32x1024xbf16>
    %get3A_20 = arith.constant 0 : index
    %get3A_21 = arith.constant 0 : index
    %get3A_22 = vector.load %arg5[%get3A_20, %get3A_21] : memref<1024x1024xf32, #tpu.memory_space<vmem>>, vector<1024x1024xf32>
    %convert_element_type3A_23 = arith.truncf %get3A_22 : vector<1024x1024xf32> to vector<1024x1024xbf16>
    %dot_general3A = arith.constant dense<0.000000e+00> : vector<32x1024xf32>
    %dot_general3A_24 = tpu.matmul %convert_element_type3A_19, %convert_element_type3A_23, %dot_general3A {dimension_numbers = #tpu.dot_dimension_numbers<[1], [0], [0], [1], [0, 0, 1, 1], [], []>, transpose_lhs_hint = false} : vector<32x1024xbf16>, vector<1024x1024xbf16>, vector<32x1024xf32> -> vector<32x1024xf32>
    %add3A_25 = arith.addf %get3A_15, %dot_general3A_24 : vector<32x1024xf32>
    %swap3A_26 = arith.constant 0 : index
    %swap3A_27 = arith.constant 0 : index
    %swap3A_28 = vector.load %arg11[%swap3A_26, %swap3A_27] : memref<32x1024xf32, #tpu.memory_space<vmem>>, vector<32x1024xf32>
    tpu.vector_store %arg11[%swap3A_26, %swap3A_27], %add3A_25 {strides = array<i32>} : memref<32x1024xf32, #tpu.memory_space<vmem>>, vector<32x1024xf32>,
    %eq3A_29 = arith.constant 1 : i32
    %eq3A_30 = arith.cmpi eq, %arg1, %eq3A_29 : i32
    %convert_element_type3A_31 = arith.extui %eq3A_30 : i1 to i32
    %cond3A_32 = arith.constant 0 : i32
    %cond3A_33 = arith.cmpi ne, %convert_element_type3A_31, %cond3A_32 : i32
    scf.if %cond3A_33 {
      %get3A_34 = arith.constant 0 : index
      %get3A_35 = arith.constant 0 : index
      %get3A_36 = vector.load %arg10[%get3A_34, %get3A_35] : memref<32x1024xf32, #tpu.memory_space<vmem>>, vector<32x1024xf32>
      %reduce_sum3A = arith.constant dense<0.000000e+00> : vector<32xf32>
      %reduce_sum3A_37 = vector.multi_reduction <add>, %get3A_36, %reduce_sum3A [1] : vector<32x1024xf32> to vector<32xf32>
      %broadcast_in_dim3A = vector.shape_cast %reduce_sum3A_37 : vector<32xf32> to vector<32x1xf32>
      %get3A_38 = arith.constant 0 : index
      %get3A_39 = arith.constant 0 : index
      %get3A_40 = vector.load %arg7[%get3A_38, %get3A_39] : memref<1x128xf32, #tpu.memory_space<vmem>>, vector<1x1xf32>
      %get3A_41 = vector.extract %get3A_40[0, 0] : f32 from vector<1x1xf32>
      %add3A_42 = vector.broadcast %get3A_41 : f32 to vector<32x1xf32>
      %add3A_43 = arith.addf %broadcast_in_dim3A, %add3A_42 : vector<32x1xf32>
      %broadcast_in_dim3A_44 = vector.shape_cast %add3A_43 : vector<32x1xf32> to vector<32x1xf32>
      %broadcast_in_dim3A_45 = vector.broadcast %broadcast_in_dim3A_44 : vector<32x1xf32> to vector<32x128xf32>
      %swap3A_46 = arith.constant 0 : index
      %swap3A_47 = arith.constant 0 : index
      %swap3A_48 = vector.load %arg8[%swap3A_46, %swap3A_47] : memref<32x128xf32, #tpu.memory_space<vmem>>, vector<32x128xf32>
      tpu.vector_store %arg8[%swap3A_46, %swap3A_47], %broadcast_in_dim3A_45 {strides = array<i32>} : memref<32x128xf32, #tpu.memory_space<vmem>>, vector<32x128xf32>,
      %get3A_49 = arith.constant 0 : index
      %get3A_50 = arith.constant 0 : index
      %get3A_51 = vector.load %arg11[%get3A_49, %get3A_50] : memref<32x1024xf32, #tpu.memory_space<vmem>>, vector<32x1024xf32>
      %get3A_52 = arith.constant 0 : index
      %get3A_53 = arith.constant 0 : index
      %get3A_54 = vector.load %arg6[%get3A_52, %get3A_53] : memref<1x1024xf32, #tpu.memory_space<vmem>>, vector<1x1024xf32>
      %add3A_55 = vector.broadcast %get3A_54 : vector<1x1024xf32> to vector<32x1024xf32>
      %add3A_56 = arith.addf %get3A_51, %add3A_55 : vector<32x1024xf32>
      %swap3A_57 = arith.constant 0 : index
      %swap3A_58 = arith.constant 0 : index
      %swap3A_59 = vector.load %arg9[%swap3A_57, %swap3A_58] : memref<32x1024xf32, #tpu.memory_space<vmem>>, vector<32x1024xf32>
      tpu.vector_store %arg9[%swap3A_57, %swap3A_58], %add3A_56 {strides = array<i32>} : memref<32x1024xf32, #tpu.memory_space<vmem>>, vector<32x1024xf32>,
    } else {
    }
    return
  }
  func.func @transform_0(%arg0: i32, %arg1: i32) -> (i32, i32) {
    %c0_i32 = arith.constant 0 : i32
    %c0_i32_0 = arith.constant 0 : i32
    return %c0_i32, %arg1 : i32, i32
  }
  func.func @transform_1(%arg0: i32, %arg1: i32) -> (i32, i32) {
    %c0_i32 = arith.constant 0 : i32
    %c0_i32_0 = arith.constant 0 : i32
    return %c0_i32, %arg1 : i32, i32
  }
  func.func @transform_2(%arg0: i32, %arg1: i32) -> (i32, i32) {
    %c0_i32 = arith.constant 0 : i32
    %c0_i32_0 = arith.constant 0 : i32
    return %c0_i32, %arg1 : i32, i32
  }
  func.func @transform_3(%arg0: i32, %arg1: i32) -> (i32, i32) {
    %c0_i32 = arith.constant 0 : i32
    %c0_i32_0 = arith.constant 0 : i32
    return %arg1, %c0_i32 : i32, i32
  }
  func.func @transform_4(%arg0: i32, %arg1: i32) -> (i32, i32) {
    %c0_i32 = arith.constant 0 : i32
    %c0_i32_0 = arith.constant 0 : i32
    %c0_i32_1 = arith.constant 0 : i32
    return %c0_i32, %c0_i32_0 : i32, i32
  }
  func.func @transform_5(%arg0: i32, %arg1: i32) -> (i32, i32) {
    %c0_i32 = arith.constant 0 : i32
    %c0_i32_0 = arith.constant 0 : i32
    %c0_i32_1 = arith.constant 0 : i32
    return %c0_i32, %c0_i32_0 : i32, i32
  }
  func.func @transform_6(%arg0: i32, %arg1: i32) -> (i32, i32) {
    %c0_i32 = arith.constant 0 : i32
    %c0_i32_0 = arith.constant 0 : i32
    %c0_i32_1 = arith.constant 0 : i32
    return %c0_i32, %c0_i32_0 : i32, i32
  }
  func.func @transform_7(%arg0: i32, %arg1: i32) -> (i32, i32) {
    %c0_i32 = arith.constant 0 : i32
    %c0_i32_0 = arith.constant 0 : i32
    %c0_i32_1 = arith.constant 0 : i32
    return %c0_i32, %c0_i32_0 : i32, i32
  }
}

</mosaic_0001>

<sc_bundles>
// kernel: kernel.8.cloned.1.call-start
scs
__scs_entry_jumppad:
0x0: {  	(pc) =	sbr.rel $0x88, $3  }
0x1: {  	(tag) =	ssettag $0x0;
	lr =	simm.s32 $0x1  }
0x2: {  	[smem:$0x3F93] =	sst lr;
	_ =	strace $0xD0000000  }
0x3: {  	_ = 	snop  }
0x4: {  	_ = 	snop  }
0x5: {  	_ = 	snop  }
0x6: {  	_ = 	snop  }
0x7: {  	_ = 	snop  }
__scs_overlays_trampoline_lowered:
0x8: {  	[smem:$0x3FA2] =	sst s0  }
0x9: {  	[smem:$0x3FA3] =	sst s1  }
0xa: {  	[smem:$0x3FA4] =	sst s2  }
0xb: {  	[smem:$0x3FA5] =	sst s3  }
0xc: {  	[smem:$0x3FA6] =	sst s4  }
0xd: {  	[smem:$0x3FA7] =	sst s5  }
0xe: {  	[smem:$0x3FA8] =	sst s6  }
0xf: {  	[smem:$0x3FA9] =	sst s7  }
0x10: {  	[smem:$0x3FAA] =	sst s8  }
0x11: {  	[smem:$0x3FAB] =	sst s9;
	s0 =	simm.s32 @!p0 $0x0  }
0x12: {  	s1 =	sld [smem:$0x3F91];
	s0 =	simm.s32 @p0 $0x1  }
0x13: {  	[smem:$0x3FAC] =	sst s0;
	s0 =	simm.s32 @!p1 $0x0  }
0x14: {  	s2 =	sld [smem:$0x3F90];
	s0 =	simm.s32 @p1 $0x1  }
0x15: {  	[smem:$0x3FAD] =	sst s0;
	s0 =	simm.s32 @!p2 $0x0  }
0x16: {  	s3 =	sld [smem:$0x3FDB];
	s0 =	simm.s32 @p2 $0x1  }
0x17: {  	s4 =	simm.s32 $0x1BF5;
	[smem:$0x3FAF] =	sst s0  }
0x18: {  	s0 =	sld [smem:$0x3F92];
	_ =	swait.ge [sflag:s4], $0x0  }
0x19: {  	s7 =	sld [smem:$0x3F93]  }
0x1a: {  	s8 =	sadd.s32 $0xFFFFE003, lr  }
0x1b: {  	s9 =	sadd.s32 $0xFFFFFEF7, lr;
	s5 =	simm.s32 $0xFFFFFFFF;
	p2 =	slt.u32 s8, $0xFFFFF086  }
0x1c: {  	p1 =	slt.u32 s9, $0xF7A;
	s5 =	simm.s32 @!p2 $0x0  }
0x1d: {  	s5 =	simm.s32 @p1 $0x1;
	p0 =	seq.s32 s7, s2  }
0x1e: {  	s7 =	smul.u32 @!p0 $0xF7A, s2;
	p2 =	seq.s32 @!p0 s5, $0x0  }
0x1f: {  	s9 =	smul.u32 $0xF7A, s1;
	s8 =	simm.s32 @!p0 $0x1BF5;
	p2 =	por !p2, p0  }
0x20: {  	[sflag:s8] =	ssyncset.s32 @!p0 $0xFFFFF086;
	s6 =	sadd.s32 @!p0 s3, s7;
	s7 =	simm.s32 @!p0 $0x108  }
0x21: {  	s3 =	sadd.s32 s3, s9;
	s6 =	sadd.s32 @!p0 $0x88, s6;
	s7 =	simm.s32 @p2 $0x1082  }
0x22: {  	[simem:s7], [sflag:s8] =	dma.local @!p0 [hbm:s6], $0xF7A  }
0x23: {  	s9 =	sor.u32 $0xD0000000, s2;
	s6 =	simm.s32 $0x108;
	_ =	swait.ge @!p0 [sflag:s8], $0x0  }
0x24: {  	s3 =	sadd.s32 $0x88, s3;
	s6 =	simm.s32 @!p1 $0x1082;
	[sflag:s4] =	ssyncset.s32 $0xFFFFF086  }
0x25: {  	[simem:s6], [sflag:s4] =	dma.local [hbm:s3], $0xF7A  }
0x26: {  	[smem:$0x3F93] =	sst s1;
	(tag) =	ssettag s2;
	_ =	strace s9  }
0x27: {  	s1 =	sld [smem:$0x3FA3]  }
0x28: {  	s2 =	sld [smem:$0x3FA4]  }
0x29: {  	s4 =	sld [smem:$0x3FA6]  }
0x2a: {  	p0 =	seq.s32 s5, $0x0;
	s5 =	sld [smem:$0x3FA7]  }
0x2b: {  	s6 =	sld [smem:$0x3FA8]  }
0x2c: {  	s7 =	sld [smem:$0x3FA9]  }
0x2d: {  	s3 =	simm.s32 $0x108;
	s8 =	sld [smem:$0x3FAA]  }
0x2e: {  	s3 =	simm.s32 @!p0 $0x1082;
	s9 =	sld [smem:$0x3FAB]  }
0x2f: {  	lr =	sadd.s32 s0, s3;
	s0 =	sld [smem:$0x3FA2]  }
0x30: {  	s3 =	sld [smem:$0x3FA5]  }
0x31: {  	[smem:$0x3FAE] =	sst s10  }
0x32: {  	s10 =	sld [smem:$0x3FAC];
	_ =	sdelay $0x3  }
0x33: {  	p0 =	seq.s32 s10, $0x1;
	s10 =	sld [smem:$0x3FAE];
	_ =	sdelay $0x3  }
0x34: {  	[smem:$0x3FAE] =	sst s10  }
0x35: {  	s10 =	sld [smem:$0x3FAD];
	_ =	sdelay $0x3  }
0x36: {  	p1 =	seq.s32 s10, $0x1;
	s10 =	sld [smem:$0x3FAE];
	_ =	sdelay $0x3  }
0x37: {  	[smem:$0x3FAE] =	sst s10  }
0x38: {  	s10 =	sld [smem:$0x3FAF]  }
0x39: {  	_ = 	snop;
	(pc) =	sbr.ind lr, $3  }
0x3a: {  	_ = 	snop  }
0x3b: {  	_ = 	snop  }
0x3c: {  	p2 =	seq.s32 s10, $0x1;
	s10 =	sld [smem:$0x3FAE]  }
0x3d: {  	_ =	shalt  }
0x3e: {  	_ =	shalt  }
0x3f: {  	_ =	shalt  }
0x40: {  	_ =	shalt  }
0x41: {  	_ =	shalt  }
0x42: {  	_ =	shalt  }
0x43: {  	_ =	shalt  }
0x44: {  	_ =	shalt  }
0x45: {  	_ =	shalt  }
0x46: {  	_ =	shalt  }
0x47: {  	_ =	shalt  }
0x48: {  	_ =	shalt  }
0x49: {  	_ =	shalt  }
0x4a: {  	_ =	shalt  }
0x4b: {  	_ =	shalt  }
0x4c: {  	_ =	shalt  }
0x4d: {  	_ =	shalt  }
0x4e: {  	_ =	shalt  }
0x4f: {  	_ =	shalt  }
0x50: {  	_ =	shalt  }
0x51: {  	_ =	shalt  }
0x52: {  	_ =	shalt  }
0x53: {  	_ =	shalt  }
0x54: {  	_ =	shalt  }
0x55: {  	_ =	shalt  }
0x56: {  	_ =	shalt  }
0x57: {  	_ =	shalt  }
0x58: {  	_ =	shalt  }
0x59: {  	_ =	shalt  }
0x5a: {  	_ =	shalt  }
0x5b: {  	_ =	shalt  }
0x5c: {  	_ =	shalt  }
0x5d: {  	_ =	shalt  }
0x5e: {  	_ =	shalt  }
0x5f: {  	_ =	shalt  }
0x60: {  	_ =	shalt  }
0x61: {  	_ =	shalt  }
0x62: {  	_ =	shalt  }
0x63: {  	_ =	shalt  }
0x64: {  	_ =	shalt  }
0x65: {  	_ =	shalt  }
0x66: {  	_ =	shalt  }
0x67: {  	_ =	shalt  }
0x68: {  	_ =	shalt  }
0x69: {  	_ =	shalt  }
0x6a: {  	_ =	shalt  }
0x6b: {  	_ =	shalt  }
0x6c: {  	_ =	shalt  }
0x6d: {  	_ =	shalt  }
0x6e: {  	_ =	shalt  }
0x6f: {  	_ =	shalt  }
0x70: {  	_ =	shalt  }
0x71: {  	_ =	shalt  }
0x72: {  	_ =	shalt  }
0x73: {  	_ =	shalt  }
0x74: {  	_ =	shalt  }
0x75: {  	_ =	shalt  }
0x76: {  	_ =	shalt  }
0x77: {  	_ =	shalt  }
0x78: {  	_ =	shalt  }
0x79: {  	_ =	shalt  }
0x7a: {  	_ =	shalt  }
0x7b: {  	_ =	shalt  }
0x7c: {  	_ =	shalt  }
0x7d: {  	_ =	shalt  }
0x7e: {  	_ =	shalt  }
0x7f: {  	_ =	shalt  }
0x80: {  	_ =	shalt  }
0x81: {  	_ =	shalt  }
0x82: {  	_ =	shalt  }
0x83: {  	_ =	shalt  }
0x84: {  	_ =	shalt  }
0x85: {  	_ =	shalt  }
0x86: {  	_ =	shalt  }
0x87: {  	_ =	shalt  }
.Lfunc_end0:
.L_simem_size_0:
called_computation_lowered:
.L_overlay_start_0:
0x88: {  	s2 =	sld [smem:$0x3FD9]  }
0x89: {  	s3 =	sld [smem:$0x3FFE];
	_ =	sdelay $0x1  }
0x8a: {  	s1 =	srdreg.scid  }
0x8b: {  	s0 =	sand.u32 $0x1, s1  }
0x8c: {  	s17 =	sshll.u32 s0, $0xA;
	s2 =	sadd.s32 s3, s2  }
0x8d: {  	s2 =	sadd.s32 s2, s17  }
0x8e: {  	[smem:$0x3FBA] =	sst s2  }
0x8f: {  	_ = 	snop  }
0x90: {  	s2 =	sld [smem:$0x3FC9];
	(tm) =	ssettm $0x1  }
0x91: {  	s18 =	sld [smem:$0x3FFB];
	_ =	sdelay $0x3  }
0x92: {  	_ =	strace s18  }
0x93: {  	s3 =	sld [smem:$0x3FFC];
	_ =	sdelay $0x3  }
0x94: {  	_ =	strace s3  }
0x95: {  	s3 =	sld [smem:$0x3FFD];
	_ =	sdelay $0x3  }
0x96: {  	_ =	strace s3  }
0x97: {  	_ =	strace $0x8FFFFFFF  }
0x98: {  	s19 =	sld [smem:$0x3FDB];
	_ =	sdelay $0x1  }
0x99: {  	s4 =	simm.s32 $_scs_section_size  }
0x9a: {  	s5 =	simm.s32 $_size__tile_overlayer_lowered;
	s6 =	simm.s32 $_tile_overlayer_lowered  }
0x9b: {  	s22 =	simm.s32 $0x1BFF;
	s21 =	sshll.u32 s6, $0x1;
	s3 =	sadd.s32 s4, s19  }
0x9c: {  	s7 =	simm.s32 $0x0;
	s20 =	sshll.u32 s5, $0x1;
	s5 =	sadd.s32 s21, s3  }
0x9d: {  	[timem:s7], [sflag:s22] =	dma.local [hbm:s5], s20  }
0x9e: {  	_ =	swait.ge [sflag:s22], s20  }
0x9f: {  	s4 =	ssub.s32 $0x0, s20;
	[sflag:s22] =	ssyncset.done $0x0  }
0xa0: {  	[sflag:s22] =	ssyncadd.s32 s4;
	_ =	sdelay $0x1  }
0xa1: {  	s23 =	simm.s32 $0x1B8B  }
0xa2: {  	_ =	swait.ge [sflag:s23], $0x1  }
0xa3: {  	[sflag:s23] =	ssyncset.done $0x0  }
0xa4: {  	s25 =	simm.s32 $0x1B8E;
	s24 =	sld [smem:$0x3FFE];
	[sflag:s23] =	ssyncadd.s32 $0xFFFFFFFF  }
0xa5: {  	s26 =	simm.s32 $execute0_lowered;
	[smem:$0x3FD2] =	sst s25  }
0xa6: {  	s5 =	sshll.u32 s26, $0x1;
	_ =	strace $0x80000046;
	[dreg:$0x1] =	wrdreg $0xFFFFFFFF  }
0xa7: {  	s28 =	simm.s32 $_size_execute0_lowered;
	s3 =	sadd.s32 s3, s5;
	[dreg:$0x0] =	wrdreg $0x0  }
0xa8: {  	s5 =	sshll.u32 s28, $0x1;
	[dreg:$0x2] =	wrdreg s3  }
0xa9: {  	[dreg:$0x3] =	wrdreg s5  }
0xaa: {  	[dreg:$0x4] =	wrdreg $0xC0  }
0xab: {  	_ =	task [dreg:s7], $0x5FFFF  }
0xac: {  	[dreg:$0x1] =	wrdreg $0xFFFFFFFF  }
0xad: {  	[dreg:$0x0] =	wrdreg $0x60  }
0xae: {  	[dreg:$0x2] =	wrdreg s24  }
0xaf: {  	[dreg:$0x3] =	wrdreg s2  }
0xb0: {  	[dreg:$0x4] =	wrdreg $0x9  }
0xb1: {  	_ =	task.clear_ibuf [dreg:s7], $0x5FFFF;
	_ =	strace $0x90000046  }
0xb2: {  	s29 =	simm.s32 $0x9;
	_ =	strace $0x80000048  }
0xb3: {  	_ =	swait.ge [sflag:s29], $0x1  }
0xb4: {  	[sflag:s29] =	ssyncadd.s32 $0xFFFFFFFF  }
0xb5: {  	_ =	strace $0x90000048  }
0xb6: {  	_ =	sfence  }
0xb7: {  	s30 =	sld [smem:$0x0];
	_ =	sdelay $0x2  }
0xb8: {  	s31 =	sshll.u32 s1, $0xD;
	s1 =	sshrl.u32 s1, $0x2  }
0xb9: {  	s3 =	sand.u32 $0x4000, s31;
	s1 =	sadd.s32 s1, s30  }
0xba: {  	s0 =	sor.u32 s3, s0;
	s1 =	sshll.u32 s1, $0x11  }
0xbb: {  	s0 =	sor.u32 s1, s0  }
0xbc: {  	s0 =	sadd.s32 $0x8F2B, s0  }
0xbd: {  	[sflag:s0] =	ssyncadd.remote.s32 $0x1  }
0xbe: {  	_ =	sfence.sel $0xFFFF  }
0xbf: {  	[dreg:$0x0] =	wrdreg $0xFFFFFFFF;
	(pc) =	sbr.abs _section_cstart, $3  }
0xc0: {  	[dreg:$0x1] =	wrdreg $0xFFFFFFFF  }
0xc1: {  	_ =	task.clear_ibuf [dreg:s7], $0x2FFFF;
	_ =	strace $0x9FFFFFFF  }
0xc2: {  	(tm) =	ssettm $0x7FFFFFFF  }
0xc3: {  	_ =	shalt  }
tec
execute0_lowered:
.L_overlay_start_1:
0x0: {  	(tag) =	ssettag $0x1  }
0x1: {  	s3 =	rddreg [dreg:$0x0]  }
0x2: {  	s4 =	rddreg [dreg:$0x1]  }
0x3: {  	s0 =	rddreg [dreg:$0x2];
	s2 =	simm.s32 $0x0  }
0x4: {  	s5 =	srdreg.scid;
	s1 =	stileid.u32;
	s10 =	simm.s32 $0x1800  }
0x5: {  	s11 =	simm.s32 $0x3800;
	s12 =	simm.s32 $0x3000;
	s13 =	simm.s32 $0x0  }
0x6: {  	s5 =	sand.u32 $0x1, s5;
	s6 =	sshrl.u32 s1, $0x2;
	s7 =	sshll.u32 s1, $0x8  }
0x7: {  	[smem:$0x7FF] =	sst s2;
	s8 =	sshll.u32 s5, $0x7;
	s7 =	sand.u32 $0x300, s7  }
0x8: {  	s9 =	smul.u32 $0xC000, s6;
	_ =	strace $0x80000047;
	s28 =	sshll.u32 s6, $0xE  }
0x9: {  	s6 =	sshll.u32 s6, $0x10;
	s5 =	ssub.s32 $0x2, s5;
	s7 =	sor.u32 s8, s7  }
0xa: {  	s30 =	sshrl.u32 s5, $0x1;
	s8 =	sor.u32 s9, s7;
	s9 =	sor.u32 s28, s7  }
0xb: {  	s6 =	sor.u32 s6, s7;
	s31 =	ssub.s32 s5, s30;
	s8 =	sshrl.u32 s8, $0x3  }
0xc: {  	s29 =	sshrl.u32 s9, $0x3;
	s6 =	sshrl.u32 s6, $0x3;
	s9 =	simm.s32 $0x1  }
0xd: {  	s8 =	sadd.s32 s8, s3;
	s7 =	sadd.s32 s29, s3;
	s4 =	sadd.s32 s6, s4  }
0xe: {  	s6 =	smax.u32 s31, $0x1;
	s3 =	sadd.s32 $0x2A00, s8;
	s4 =	sadd.s32 $0x800, s4  }
0xf: {  	v0 =	vimm.s32 $0x0;
	v1 =	vlaneseq.u32;
	v2 =	vimm.s32 $0x1;
	s5 =	sadd.s32 $0x8A00, s7;
	s7 =	simm.s32 $0x80;
	s8 =	simm.s32 $0x400  }
.LBB2_1:
0x10: {  	[tilespmem:s2], [sflag:$0x1] =	stream.strided.gather [hbm4b:s3+s7], $0x1800, s8, s7, $0x38;
	[tilespmem:$0x7800] =	vst v63  }
0x11: {  	_ =	swait.ge [sflag:s9], $0x1800  }
0x12: {  	[sflag:s9] =	ssyncset.done $0x0  }
0x13: {  	[sflag:s9] =	ssyncadd.s32 $0xFFFFE800  }
0x14: {  	[tilespmem:s10], [sflag:$0x1] =	stream.strided.gather [hbm4b:s4+s7], $0x1800, s8, s7, $0x38;
	[tilespmem:$0x7800] =	vst v63  }
0x15: {  	_ =	swait.ge [sflag:s9], $0x1800  }
0x16: {  	[sflag:s9] =	ssyncset.done $0x0  }
0x17: {  	[sflag:s9] =	ssyncadd.s32 $0xFFFFE800  }
0x18: {  	p0 =	por $0x0, $0x0;
	v7 =	vld [tilespmem:$0x0]  }
.Ltmp0:
0x19: {  	s15 =	simm.s32 $0x0;
	(pc) =	sbr.rel @p0 .LBB2_3-.Ltmp0, $4  }
0x1a: {  	v6 =	vld [tilespmem:s15+$0x0]  }
0x1b: {  	v3 =	vld [tilespmem:s15+$0x10]  }
0x1c: {  	v4 =	vld [tilespmem:s15+$0x20]  }
0x1d: {  	s14 =	simm.s32 $0x100;
	v5 =	vld [tilespmem:s15+$0x30];
	v8 =	vmov v7  }
.LBB2_2:
0x1e: {  	p0 =	seq.s32 s14, $0x5F00  }
.Ltmp1:
0x1f: {  	s15 =	sshra.s32 s14, $0x2;
	s14 =	sadd.s32 $0x100, s14;
	v7 =	vmin.f32 v7, v6;
	v8 =	vmax.f32 v8, v6;
	(pc) =	sbr.rel @!p0 .LBB2_2-.Ltmp1, $4  }
0x20: {  	v6 =	vld [tilespmem:s15+$0x0];
	v7 =	vmin.f32 v7, v3;
	v8 =	vmax.f32 v8, v3  }
0x21: {  	v3 =	vld [tilespmem:s15+$0x10];
	v7 =	vmin.f32 v7, v4;
	v8 =	vmax.f32 v8, v4  }
0x22: {  	v4 =	vld [tilespmem:s15+$0x20];
	v7 =	vmin.f32 v7, v5;
	v8 =	vmax.f32 v8, v5  }
0x23: {  	v5 =	vld [tilespmem:s15+$0x30]  }
.LBB2_3:
0x24: {  	_ = 	snop  }
0x25: {  	v7 =	vmin.f32 v7, v6;
	v6 =	vmax.f32 v8, v6  }
0x26: {  	v7 =	vmin.f32 v7, v3;
	v3 =	vmax.f32 v6, v3  }
0x27: {  	v6 =	vmin.f32 v7, v4;
	v4 =	vmax.f32 v3, v4  }
0x28: {  	s14 =	simm.s32 $0x0;
	s15 =	simm.s32 $0x200;
	v3 =	vmin.f32 v6, v5;
	v4 =	vmax.f32 v4, v5  }
.LBB2_4:
0x29: {  	p0 =	seq.s32 s15, $0xFE00;
	[tilespmem:s14+$0x3870] =	vst v0  }
0x2a: {  	[tilespmem:s14+$0x3800] =	vst v0  }
0x2b: {  	[tilespmem:s14+$0x3810] =	vst v0  }
.Ltmp2:
0x2c: {  	[tilespmem:s14+$0x3820] =	vst v0;
	(pc) =	sbr.rel @!p0 .LBB2_4-.Ltmp2, $4  }
0x2d: {  	[tilespmem:s14+$0x3830] =	vst v0  }
0x2e: {  	[tilespmem:s14+$0x3840] =	vst v0  }
0x2f: {  	[tilespmem:s14+$0x3850] =	vst v0  }
0x30: {  	[tilespmem:s14+$0x3860] =	vst v0;
	s14 =	sshra.s32 s15, $0x2;
	s15 =	sadd.s32 $0x200, s15  }
0x31: {  	(xrf0) =	vmin.scan.msk.f32 $0xffff, v3  }
0x32: {  	(xrf0) =	vmax.scan.msk.f32 $0xffff, v4;
	_ =	sdelay $0x4  }
0x33: {  	v3, _, _ =	vpop (xrf0)  }
0x34: {  	(v2sf) =	vpush v3, $0xF;
	v5, _, _ =	vpop (xrf0)  }
0x35: {  	(v2sf) =	vpush v5, $0xF;
	_ =	sdelay $0x8  }
0x36: {  	[tilespmem:s14+$0x3870] =	vst v0  }
0x37: {  	[tilespmem:s14+$0x3800] =	vst v0  }
0x38: {  	[tilespmem:s14+$0x3810] =	vst v0  }
0x39: {  	[tilespmem:s14+$0x3820] =	vst v0  }
0x3a: {  	[tilespmem:s14+$0x3830] =	vst v0  }
0x3b: {  	[tilespmem:s14+$0x3840] =	vst v0;
	s31 =	spop (v2sf)  }
0x3c: {  	[tilespmem:s14+$0x3850] =	vst v0;
	s15 =	spop (v2sf)  }
0x3d: {  	[tilespmem:s14+$0x3860] =	vst v0;
	s14 =	ssub.f32 s15, s31;
	_ =	sdelay $0x1  }
0x3e: {  	s14 =	sadd.f32 $9.999999680e-21, s14;
	_ =	sdelay $0x1  }
0x3f: {  	v4 =	vmov s14  }
0x40: {  	(erf) = vrcp.f32 v4;
	_ =	sdelay $0x8  }
0x41: {  	v4 =	vpop (erf)  }
0x42: {  	v4 =	vmul.f32 $1.022000000e+03, v4;
	_ =	sdelay $0x1  }
0x43: {  	(xrf0) =	vmax.scan.msk.f32 $0xffff, v4;
	_ =	sdelay $0x5  }
0x44: {  	v4, _, _ =	vpop (xrf0)  }
0x45: {  	v3 =	vbroadcast v3, $0xF;
	s15 =	simm.s32 $0x0;
	s14 =	simm.s32 $0x0;
	v4 =	vbroadcast v4, $0xF  }
.LBB2_6:
0x46: {  	s16 =	sshra.s32 s15, $0x2  }
0x47: {  	v6 =	vld [tilespmem:s16+$0x0];
	_ =	sdelay $0x4  }
0x48: {  	v6 =	vsub.f32 v6, v3;
	_ =	sdelay $0x1  }
0x49: {  	v6 =	vmul.f32 v6, v4;
	_ =	sdelay $0x1  }
0x4a: {  	v6 =	vtrunc.f32 v6  }
0x4b: {  	v6 =	vcvt.f32.s32 v6;
	_ =	sdelay $0x1  }
0x4c: {  	v6 =	vshll.u32 v6, $0x4  }
0x4d: {  	v6 =	vor.u32 v1, v6;
	_ =	sdelay $0x4  }
0x4e: {  	[tilespmem:v6+s11+$0x0] =	vst.idx.add.s32.msk $0xffff, v2  }
0x4f: {  	v6 =	vld [tilespmem:s16+$0x10];
	_ =	sdelay $0x4  }
0x50: {  	v6 =	vsub.f32 v6, v3;
	_ =	sdelay $0x1  }
0x51: {  	v6 =	vmul.f32 v6, v4;
	_ =	sdelay $0x1  }
0x52: {  	v6 =	vtrunc.f32 v6  }
0x53: {  	v6 =	vcvt.f32.s32 v6;
	_ =	sdelay $0x1  }
0x54: {  	v6 =	vshll.u32 v6, $0x4  }
0x55: {  	v6 =	vor.u32 v1, v6;
	_ =	sdelay $0x4  }
0x56: {  	[tilespmem:v6+s11+$0x0] =	vst.idx.add.s32.msk $0xffff, v2  }
0x57: {  	v6 =	vld [tilespmem:s16+$0x20];
	_ =	sdelay $0x4  }
0x58: {  	v6 =	vsub.f32 v6, v3;
	_ =	sdelay $0x1  }
0x59: {  	v6 =	vmul.f32 v6, v4;
	_ =	sdelay $0x1  }
0x5a: {  	v6 =	vtrunc.f32 v6  }
0x5b: {  	v6 =	vcvt.f32.s32 v6;
	_ =	sdelay $0x1  }
0x5c: {  	v6 =	vshll.u32 v6, $0x4  }
0x5d: {  	v6 =	vor.u32 v1, v6;
	_ =	sdelay $0x4  }
0x5e: {  	[tilespmem:v6+s11+$0x0] =	vst.idx.add.s32.msk $0xffff, v2  }
0x5f: {  	v6 =	vld [tilespmem:s16+$0x30];
	_ =	sdelay $0x4  }
0x60: {  	v6 =	vsub.f32 v6, v3;
	_ =	sdelay $0x1  }
0x61: {  	v6 =	vmul.f32 v6, v4;
	_ =	sdelay $0x1  }
0x62: {  	v6 =	vtrunc.f32 v6  }
0x63: {  	v6 =	vcvt.f32.s32 v6;
	_ =	sdelay $0x1  }
0x64: {  	v6 =	vshll.u32 v6, $0x4  }
0x65: {  	p0 =	seq.s32 s15, $0x5F00;
	v6 =	vor.u32 v1, v6  }
.Ltmp3:
0x66: {  	_ = 	snop;
	(pc) =	sbr.rel @!p0 .LBB2_6-.Ltmp3, $2  }
0x67: {  	_ =	sdelay $0x2  }
0x68: {  	s15 =	sadd.s32 $0x100, s15;
	[tilespmem:v6+s11+$0x0] =	vst.idx.add.s32.msk $0xffff, v2  }
0x69: {  	s15 =	simm.s32 $0x4000  }
0x6a: {  	v6 =	vld [tilespmem:s15+$0x37F0];
	_ =	sdelay $0x4  }
0x6b: {  	(xrf0) =	vadd.scan.msk.s32 $0xffff, v6  }
0x6c: {  	v6 =	vld [tilespmem:s15+$0x37E0]  }
0x6d: {  	v7 =	vld [tilespmem:s15+$0x37D0]  }
0x6e: {  	v9 =	vld [tilespmem:s15+$0x37C0];
	_ =	sdelay $0x2  }
0x6f: {  	v8, _, _ =	vpop (xrf0);
	(xrf0) =	vadd.scan.msk.s32 $0xffff, v6  }
0x70: {  	(xrf0) =	vadd.scan.msk.s32 $0xffff, v7  }
0x71: {  	(xrf0) =	vadd.scan.msk.s32 $0xffff, v9;
	_ =	sdelay $0x3  }
0x72: {  	(v2sf) =	vpush v8, $0xF;
	v9, _, _ =	vpop (xrf0)  }
0x73: {  	(v2sf) =	vpush v9, $0xF;
	v7, _, _ =	vpop (xrf0)  }
0x74: {  	(v2sf) =	vpush v7, $0xF;
	v6, _, _ =	vpop (xrf0)  }
0x75: {  	(v2sf) =	vpush v6, $0xF;
	_ =	sdelay $0xb  }
0x76: {  	s17 =	simm.s32 $0xFF00;
	s16 =	simm.s32 $0xFE00;
	s18 =	spop (v2sf)  }
.LBB2_8:
0x77: {  	p0 =	seq.s32 s16, $0x100;
	s14 =	sadd.s32 s14, s18;
	s18 =	spop (v2sf)  }
0x78: {  	v8 =	vsub.s32 s14, v8;
	s14 =	sadd.s32 s14, s18;
	s18 =	spop (v2sf)  }
0x79: {  	s19 =	sshra.s32 s17, $0x2;
	[tilespmem:s15+$0x37F0] =	vst v8;
	v8 =	vsub.s32 s14, v9;
	s14 =	sadd.s32 s14, s18;
	s17 =	spop (v2sf)  }
0x7a: {  	v9 =	vld [tilespmem:s19+$0x37F0];
	[tilespmem:s15+$0x37E0] =	vst v8;
	v7 =	vsub.s32 s14, v7;
	s14 =	sadd.s32 s14, s17;
	s17 =	smov.u32 s16  }
0x7b: {  	v8 =	vld [tilespmem:s19+$0x37E0];
	[tilespmem:s15+$0x37D0] =	vst v7;
	v6 =	vsub.s32 s14, v6  }
0x7c: {  	v7 =	vld [tilespmem:s19+$0x37D0];
	[tilespmem:s15+$0x37C0] =	vst v6;
	s15 =	smov.u32 s19  }
0x7d: {  	v6 =	vld [tilespmem:s15+$0x37C0];
	_ =	sdelay $0x1  }
0x7e: {  	(xrf0) =	vadd.scan.msk.s32 $0xffff, v9  }
0x7f: {  	(xrf0) =	vadd.scan.msk.s32 $0xffff, v8  }
0x80: {  	(xrf0) =	vadd.scan.msk.s32 $0xffff, v7  }
0x81: {  	(xrf0) =	vadd.scan.msk.s32 $0xffff, v6;
	_ =	sdelay $0x2  }
0x82: {  	v8, _, _ =	vpop (xrf0)  }
0x83: {  	(v2sf) =	vpush v8, $0xF;
	v9, _, _ =	vpop (xrf0)  }
0x84: {  	(v2sf) =	vpush v9, $0xF;
	v7, _, _ =	vpop (xrf0)  }
0x85: {  	(v2sf) =	vpush v7, $0xF;
	v6, _, _ =	vpop (xrf0)  }
0x86: {  	(v2sf) =	vpush v6, $0xF;
	_ =	sdelay $0x7  }
.Ltmp4:
0x87: {  	(pc) =	sbr.rel @!p0 .LBB2_8-.Ltmp4, $2  }
0x88: {  	_ =	sdelay $0x2  }
0x89: {  	s16 =	sadd.s32 $0xFFFFFF00, s16;
	s18 =	spop (v2sf)  }
0x8a: {  	s14 =	sadd.s32 s14, s18;
	s16 =	spop (v2sf)  }
0x8b: {  	v8 =	vsub.s32 s14, v8;
	s14 =	sadd.s32 s14, s16;
	s25 =	spop (v2sf)  }
0x8c: {  	s24 =	sshra.s32 s17, $0x2;
	[tilespmem:s15+$0x37F0] =	vst v8;
	v8 =	vsub.s32 s14, v9;
	s14 =	sadd.s32 s14, s25;
	s26 =	spop (v2sf)  }
0x8d: {  	v62 =	vld [tilespmem:s24+$0x37F0];
	[tilespmem:s15+$0x37E0] =	vst v8;
	v7 =	vsub.s32 s14, v7;
	s14 =	sadd.s32 s14, s26  }
0x8e: {  	v8 =	vld [tilespmem:s24+$0x37E0];
	[tilespmem:s15+$0x37D0] =	vst v7;
	v6 =	vsub.s32 s14, v6  }
0x8f: {  	v7 =	vld [tilespmem:s24+$0x37D0];
	[tilespmem:s15+$0x37C0] =	vst v6  }
0x90: {  	v6 =	vld [tilespmem:s24+$0x37C0];
	_ =	sdelay $0x1  }
0x91: {  	(xrf0) =	vadd.scan.msk.s32 $0xffff, v62  }
0x92: {  	(xrf0) =	vadd.scan.msk.s32 $0xffff, v8  }
0x93: {  	(xrf0) =	vadd.scan.msk.s32 $0xffff, v7  }
0x94: {  	(xrf0) =	vadd.scan.msk.s32 $0xffff, v6;
	_ =	sdelay $0x2  }
0x95: {  	v6, _, _ =	vpop (xrf0)  }
0x96: {  	(v2sf) =	vpush v6, $0xF;
	v7, _, _ =	vpop (xrf0)  }
0x97: {  	(v2sf) =	vpush v7, $0xF;
	v8, _, _ =	vpop (xrf0)  }
0x98: {  	(v2sf) =	vpush v8, $0xF;
	v63, _, _ =	vpop (xrf0)  }
0x99: {  	(v2sf) =	vpush v63, $0xF;
	_ =	sdelay $0xb  }
0x9a: {  	s28 =	spop (v2sf)  }
0x9b: {  	s14 =	sadd.s32 s14, s28;
	s29 =	spop (v2sf)  }
0x9c: {  	v6 =	vsub.s32 s14, v6;
	s14 =	sadd.s32 s14, s29;
	s30 =	spop (v2sf)  }
0x9d: {  	[tilespmem:s24+$0x37F0] =	vst v6;
	v6 =	vsub.s32 s14, v7;
	s14 =	sadd.s32 s14, s30;
	s31 =	spop (v2sf)  }
0x9e: {  	[tilespmem:s24+$0x37E0] =	vst v6;
	v6 =	vsub.s32 s14, v8;
	s14 =	sadd.s32 s14, s31  }
0x9f: {  	[tilespmem:s24+$0x37D0] =	vst v6;
	v6 =	vsub.s32 s14, v63  }
0xa0: {  	v5 =	vbroadcast v5, $0xF;
	s14 =	simm.s32 $0x0;
	[tilespmem:s24+$0x37C0] =	vst v6;
	v6 =	vimm.f32 $0.0e+00  }
.LBB2_10:
0xa1: {  	s15 =	sshra.s32 s14, $0x2  }
0xa2: {  	v7 =	vld [tilespmem:s15+$0x0];
	_ =	sdelay $0x4  }
0xa3: {  	v8 =	vsub.f32 v7, v3;
	_ =	sdelay $0x1  }
0xa4: {  	v8 =	vmul.f32 v8, v4;
	_ =	sdelay $0x1  }
0xa5: {  	v8 =	vtrunc.f32 v8  }
0xa6: {  	v8 =	vcvt.f32.s32 v8;
	_ =	sdelay $0x1  }
0xa7: {  	v8 =	vshll.u32 v8, $0x4  }
0xa8: {  	v7 =	vsub.f32 v7, v5;
	v8 =	vor.u32 v1, v8;
	_ =	sdelay $0x1  }
0xa9: {  	v7 =	vmul.f32 $1.442695020e+00, v7;
	_ =	sdelay $0x1  }
0xaa: {  	(erf) = vpow2.f32 v7  }
0xab: {  	v7 =	vld.idx.msk [tilespmem:v8+s11+$0x0], $0xffff;
	_ =	sdelay $0x3  }
0xac: {  	v9 =	vld [tilespmem:s15+$0x1800]  }
0xad: {  	vm0 =	vlt.s32 v7, $0x800;
	vm1 =	vlt.s32 v7, $0x7FF  }
0xae: {  	v7 =	vnsel vm1, $0x7FF, v7;
	_ =	sdelay $0x1  }
0xaf: {  	v10 =	vpop (erf)  }
0xb0: {  	v9 =	vmul.f32 v10, v9  }
0xb1: {  	[tilespmem:v8+s11+$0x0] =	vst.idx.add.s32.msk $0xffff, v2  }
0xb2: {  	[tilespmem:v7+s12+$0x0] =	vst.idx.msk vm0, v9  }
0xb3: {  	v7 =	vld [tilespmem:s15+$0x10];
	_ =	sdelay $0x4  }
0xb4: {  	v8 =	vsub.f32 v7, v3;
	_ =	sdelay $0x1  }
0xb5: {  	v8 =	vmul.f32 v8, v4;
	_ =	sdelay $0x1  }
0xb6: {  	v8 =	vtrunc.f32 v8  }
0xb7: {  	v8 =	vcvt.f32.s32 v8;
	_ =	sdelay $0x1  }
0xb8: {  	v8 =	vshll.u32 v8, $0x4  }
0xb9: {  	v7 =	vsub.f32 v7, v5;
	v8 =	vor.u32 v1, v8;
	_ =	sdelay $0x1  }
0xba: {  	v7 =	vmul.f32 $1.442695020e+00, v7;
	_ =	sdelay $0x1  }
0xbb: {  	(erf) = vpow2.f32 v7  }
0xbc: {  	v7 =	vld.idx.msk [tilespmem:v8+s11+$0x0], $0xffff;
	_ =	sdelay $0x3  }
0xbd: {  	v9 =	vld [tilespmem:s15+$0x1810]  }
0xbe: {  	vm12 =	vlt.s32 v7, $0x800;
	vm2 =	vlt.s32 v7, $0x7FF  }
0xbf: {  	v7 =	vnsel vm2, $0x7FF, v7;
	_ =	sdelay $0x1  }
0xc0: {  	v11 =	vpop (erf)  }
0xc1: {  	v9 =	vmul.f32 v11, v9  }
0xc2: {  	[tilespmem:v8+s11+$0x0] =	vst.idx.add.s32.msk $0xffff, v2  }
0xc3: {  	[tilespmem:v7+s12+$0x0] =	vst.idx.msk vm12, v9  }
0xc4: {  	v7 =	vld [tilespmem:s15+$0x20];
	_ =	sdelay $0x4  }
0xc5: {  	v8 =	vsub.f32 v7, v3;
	_ =	sdelay $0x1  }
0xc6: {  	v8 =	vmul.f32 v8, v4;
	_ =	sdelay $0x1  }
0xc7: {  	v8 =	vtrunc.f32 v8  }
0xc8: {  	v8 =	vcvt.f32.s32 v8;
	_ =	sdelay $0x1  }
0xc9: {  	v8 =	vshll.u32 v8, $0x4  }
0xca: {  	v7 =	vsub.f32 v7, v5;
	v8 =	vor.u32 v1, v8;
	_ =	sdelay $0x1  }
0xcb: {  	v7 =	vmul.f32 $1.442695020e+00, v7;
	_ =	sdelay $0x1  }
0xcc: {  	(erf) = vpow2.f32 v7  }
0xcd: {  	v7 =	vld.idx.msk [tilespmem:v8+s11+$0x0], $0xffff;
	_ =	sdelay $0x3  }
0xce: {  	v9 =	vld [tilespmem:s15+$0x1820]  }
0xcf: {  	vm13 =	vlt.s32 v7, $0x800;
	vm3 =	vlt.s32 v7, $0x7FF  }
0xd0: {  	v7 =	vnsel vm3, $0x7FF, v7;
	_ =	sdelay $0x1  }
0xd1: {  	v12 =	vpop (erf)  }
0xd2: {  	v9 =	vmul.f32 v12, v9  }
0xd3: {  	[tilespmem:v8+s11+$0x0] =	vst.idx.add.s32.msk $0xffff, v2  }
0xd4: {  	[tilespmem:v7+s12+$0x0] =	vst.idx.msk vm13, v9  }
0xd5: {  	v7 =	vld [tilespmem:s15+$0x30];
	_ =	sdelay $0x4  }
0xd6: {  	v8 =	vsub.f32 v7, v3;
	_ =	sdelay $0x1  }
0xd7: {  	v8 =	vmul.f32 v8, v4;
	_ =	sdelay $0x1  }
0xd8: {  	v8 =	vtrunc.f32 v8  }
0xd9: {  	v8 =	vcvt.f32.s32 v8;
	_ =	sdelay $0x1  }
0xda: {  	v8 =	vshll.u32 v8, $0x4  }
0xdb: {  	v7 =	vsub.f32 v7, v5;
	v8 =	vor.u32 v1, v8;
	_ =	sdelay $0x1  }
0xdc: {  	v7 =	vmul.f32 $1.442695020e+00, v7;
	_ =	sdelay $0x1  }
0xdd: {  	(erf) = vpow2.f32 v7  }
0xde: {  	v7 =	vld.idx.msk [tilespmem:v8+s11+$0x0], $0xffff;
	_ =	sdelay $0x3  }
0xdf: {  	v58 =	vnsel vm0, $0x0, v10;
	v59 =	vld [tilespmem:s15+$0x1830]  }
0xe0: {  	v6 =	vadd.f32 v58, v6;
	vm14 =	vlt.s32 v7, $0x800;
	vm15 =	vlt.s32 v7, $0x7FF  }
0xe1: {  	p0 =	sne.s32 s14, $0x5F00;
	v60 =	vnsel vm12, $0x0, v11;
	v7 =	vnsel vm15, $0x7FF, v7  }
.Ltmp5:
0xe2: {  	v6 =	vadd.f32 v60, v6;
	(pc) =	sbr.rel @p0 .LBB2_10-.Ltmp5, $4  }
0xe3: {  	v61 =	vnsel vm13, $0x0, v12;
	v62 =	vpop (erf)  }
0xe4: {  	v6 =	vadd.f32 v61, v6;
	v63 =	vmul.f32 v62, v59  }
0xe5: {  	[tilespmem:v8+s11+$0x0] =	vst.idx.add.s32.msk $0xffff, v2;
	v8 =	vnsel vm14, $0x0, v62  }
0xe6: {  	s14 =	sadd.s32 $0x100, s14;
	v6 =	vadd.f32 v8, v6;
	[tilespmem:v7+s12+$0x0] =	vst.idx.msk vm14, v63  }
0xe7: {  	_ = 	snop  }
0xe8: {  	(xrf2) =	vadd.scan.msk.f32 $0xffff, v6;
	_ =	sdelay $0x9  }
0xe9: {  	v3, _, _ =	vpop (xrf2)  }
0xea: {  	v3 =	vbroadcast v3, $0xF;
	_ =	sdelay $0x1  }
0xeb: {  	(erf) = vrcp.f32 v3;
	_ =	sdelay $0x8  }
0xec: {  	v3 =	vpop (erf)  }
0xed: {  	(xrf0) =	vmax.scan.msk.f32 $0xffff, v3;
	_ =	sdelay $0x3  }
0xee: {  	s14 =	simm.s32 $0x0  }
0xef: {  	v4 =	vld [tilespmem:s14+$0x3000]  }
0xf0: {  	v6 =	vld [tilespmem:s14+$0x3010];
	v3, _, _ =	vpop (xrf0)  }
0xf1: {  	s15 =	simm.s32 $0x100;
	v5 =	vld [tilespmem:s14+$0x3020];
	v3 =	vbroadcast v3, $0xF  }
.LBB2_12:
0xf2: {  	p0 =	sne.s32 s15, $0x1F00;
	v7 =	vld [tilespmem:s14+$0x3030];
	_ =	sdelay $0x1  }
0xf3: {  	v4 =	vmul.f32 v4, v3  }
.Ltmp6:
0xf4: {  	v6 =	vmul.f32 v6, v3;
	(pc) =	sbr.rel @p0 .LBB2_12-.Ltmp6, $4  }
0xf5: {  	s16 =	sshra.s32 s15, $0x2;
	[tilespmem:s14+$0x3000] =	vst v4;
	v5 =	vmul.f32 v5, v3  }
0xf6: {  	v4 =	vld [tilespmem:s16+$0x3000];
	[tilespmem:s14+$0x3010] =	vst v6;
	v7 =	vmul.f32 v7, v3  }
0xf7: {  	v6 =	vld [tilespmem:s16+$0x3010];
	[tilespmem:s14+$0x3020] =	vst v5  }
0xf8: {  	s15 =	sadd.s32 $0x100, s15;
	v5 =	vld [tilespmem:s16+$0x3020];
	[tilespmem:s14+$0x3030] =	vst v7;
	s14 =	smov.u32 s16  }
0xf9: {  	v7 =	vld [tilespmem:s14+$0x3030];
	_ =	sdelay $0x1  }
0xfa: {  	v4 =	vmul.f32 v4, v3  }
0xfb: {  	v6 =	vmul.f32 v6, v3  }
0xfc: {  	[tilespmem:s14+$0x3000] =	vst v4;
	v63 =	vmul.f32 v5, v3  }
0xfd: {  	s13 =	sadd.s32 $0x1, s13;
	[tilespmem:s14+$0x3010] =	vst v6;
	v3 =	vmul.f32 v7, v3  }
0xfe: {  	p0 =	sne.s32 s13, s6;
	[tilespmem:s14+$0x3020] =	vst v63  }
.Ltmp7:
0xff: {  	[tilespmem:s14+$0x3030] =	vst v3;
	(pc) =	sbr.rel @p0 .LBB2_1-.Ltmp7, $4  }
0x100: {  	[hbm4b:s5+s7] =	stream.strided.scatter [tilespmem:s12], [sflag:$0x1], $0x800, s8, s7, $0x38;
	[tilespmem:$0x7800] =	vst v63  }
0x101: {  	_ =	swait.ge [sflag:s9], $0x800  }
0x102: {  	[sflag:s9] =	ssyncset.done $0x0  }
0x103: {  	[sflag:s9] =	ssyncadd.s32 $0xFFFFF800  }
0x104: {  	_ =	sfence.sel $0x180000  }
0x105: {  	[bflag:$0x0] =	sbarrier.arrive $0xFFFF  }
0x106: {  	p0 =	sne.s32 s1, $0x0;
	_ =	strace $0x90000047  }
0x107: {  	s0 =	sadd.s32 @!p0 $0x100000, s0;
	[bflag:$0x2] =	sbarrier.arrive $0xFFFF  }
0x108: {  	[sflag:s0] =	ssyncadd.tile.s32 @!p0 $0x1;
	_ =	shalt  }
.Lfunc_end2:
_tile_overlayer_lowered:
.L_overlay_start_2:
0x109: {  	(tag) =	ssettag $0x2  }
0x10a: {  	s0 =	rddreg [dreg:$0x0];
	s2 =	stileid.u32  }
0x10b: {  	s1 =	rddreg [dreg:$0x1];
	p0 =	sne.s32 s2, $0x0  }
0x10c: {  	s3 =	rddreg [dreg:$0x2];
	[bflag:$0x3] =	sbarrier.arrive $0xFFFF;
	s2 =	simm.s32 @!p0 $0x1C01  }
0x10d: {  	[timem:s3], [sflag:s2] =	dma.local @!p0 [hbm:s0], s1  }
0x10e: {  	s0 =	simm.s32 @!p0 $0x1  }
0x10f: {  	_ =	swait.ge @!p0 [sflag:s0], s1  }
0x110: {  	s1 =	ssub.s32 @!p0 $0x0, s1;
	[sflag:s0] =	ssyncset.done @!p0 $0x0  }
0x111: {  	[sflag:s0] =	ssyncadd.s32 @!p0 s1  }
0x112: {  	[bflag:$0x3] =	sbarrier.arrive $0xFFFF  }
0x113: {  	_ =	shalt  }

</sc_bundles>
